<compile_context>
chip_gen: v7x
topology: tpu7x:2x2x1
jax: 0.10.2.dev20260603
libtpu: 0.0.44.dev20260713+nightly
codegen_flags: <defaults>
</compile_context>

<pallas_src>
import functools

import jax
import jax.numpy as jnp
from jax import lax
from jax.experimental import pallas as pl
from jax.experimental.pallas import tpu as pltpu
from jax.experimental.pallas import tpu_sc as plsc

_N = 10000
_E = 160000
_NP = 10240
_NR = 10112
_NC = 2
_NS = 16
_K = 64
_EP = 163840
_EPT1 = _EP // (_NC * _NS)
_EPT2 = _EP // _NS
_OPT = _NR // _NS
_PAD_ID = 10000


def _edge_loop(table, acc, idx_s, idx_d, rows, gsem, ssem, dummy, ch, count):
    def g_issue(k, b):
        pltpu.async_copy(table.at[idx_s.at[pl.ds(k * _K, _K)]], rows[b],
                         gsem[b])

    def g_wait(b):
        pltpu.make_async_copy(dummy, rows[b], gsem[b]).wait()

    def s_issue(k, b):
        pltpu.async_copy(rows[b], acc.at[idx_d.at[pl.ds(k * _K, _K)]],
                         ssem[b], add=True)

    def s_wait(b):
        pltpu.make_async_copy(dummy, rows[b], ssem[b]).wait()

    g_issue(0, 0)
    g_wait(0)
    s_issue(0, 0)
    count(0)
    g_issue(1, 1)

    def steady(i, carry):
        for (d, b) in ((1, 1), (2, 0)):
            k = 2 * i + d
            g_wait(b)
            s_issue(k, b)
            count(k)
            s_wait(1 - b)
            g_issue(k + 1, 1 - b)
        return carry

    lax.fori_loop(0, (ch - 2) // 2, steady, 0)

    g_wait(1)
    s_issue(ch - 1, 1)
    count(ch - 1)
    s_wait(0)
    s_wait(1)


def _sc_l1_body(table, src_h, dst_h, zrow_h, zflat_h, agg_o, cnt_o,
                acc, idx_s, idx_d, rows0, rows1, hist,
                gsem0, gsem1, ssem0, ssem1):
    c = lax.axis_index("c")
    t = lax.axis_index("s")
    ch = _EPT1 // _K

    pltpu.sync_copy(src_h.at[c].at[t], idx_s)
    pltpu.sync_copy(dst_h.at[c].at[t], idx_d)
    pltpu.sync_copy(zflat_h, hist)
    pltpu.sync_copy(zrow_h, acc.at[pl.ds(t * _OPT, _OPT)])
    plsc.subcore_barrier()

    ones = jnp.full((16,), 1.0, jnp.float32)

    def count(k):
        for i in range(_K // 16):
            v = idx_d[pl.ds(k * _K + i * 16, 16)]
            plsc.addupdate_scatter(hist, [v], ones)

    dummy = zrow_h.at[pl.ds(0, _K)]
    _edge_loop(table, acc, idx_s, idx_d, (rows0, rows1),
               (gsem0, gsem1), (ssem0, ssem1), dummy, ch, count)
    plsc.subcore_barrier()

    pltpu.sync_copy(acc.at[pl.ds(t * _OPT, _OPT)],
                    agg_o.at[c].at[pl.ds(t * _OPT, _OPT)])
    pltpu.sync_copy(hist, cnt_o.at[c].at[t])


def _sc_l2_body(table, src_h, dst_h, zrow_h, agg_o,
                acc, idx_s, idx_d, rows0, rows1,
                gsem0, gsem1, ssem0, ssem1):
    c = lax.axis_index("c")
    t = lax.axis_index("s")
    ch = _EPT2 // _K

    pltpu.sync_copy(src_h.at[t], idx_s)
    pltpu.sync_copy(dst_h.at[t], idx_d)
    pltpu.sync_copy(zrow_h, acc.at[pl.ds(t * _OPT, _OPT)])
    plsc.subcore_barrier()

    dummy = zrow_h.at[pl.ds(0, _K)]
    _edge_loop(table.at[c], acc, idx_s, idx_d, (rows0, rows1),
               (gsem0, gsem1), (ssem0, ssem1), dummy, ch, lambda k: None)
    plsc.subcore_barrier()

    pltpu.sync_copy(acc.at[pl.ds(t * _OPT, _OPT)],
                    agg_o.at[c].at[pl.ds(t * _OPT, _OPT)])


@functools.lru_cache(maxsize=None)
def _make_sc_l1():
    bf16 = jnp.bfloat16
    mesh = plsc.VectorSubcoreMesh(core_axis_name="c", subcore_axis_name="s",
                                  num_cores=_NC, num_subcores=_NS)
    return pl.kernel(
        _sc_l1_body,
        out_type=[
            jax.ShapeDtypeStruct((_NC, _NR, 2, 128), bf16),
            jax.ShapeDtypeStruct((_NC, _NS, _NR), jnp.float32),
        ],
        mesh=mesh,
        scratch_types=[
            pltpu.VMEM_SHARED((_NR, 2, 128), bf16),
            pltpu.VMEM((_EPT1,), jnp.int32),
            pltpu.VMEM((_EPT1,), jnp.int32),
            pltpu.VMEM((_K, 2, 128), bf16),
            pltpu.VMEM((_K, 2, 128), bf16),
            pltpu.VMEM((_NR,), jnp.float32),
        ] + [pltpu.SemaphoreType.DMA] * 4,
        compiler_params=pltpu.CompilerParams(needs_layout_passes=False,
                                             use_tc_tiling_on_sc=False),
    )


@functools.lru_cache(maxsize=None)
def _make_sc_l2():
    bf16 = jnp.bfloat16
    mesh = plsc.VectorSubcoreMesh(core_axis_name="c", subcore_axis_name="s",
                                  num_cores=_NC, num_subcores=_NS)
    return pl.kernel(
        _sc_l2_body,
        out_type=[jax.ShapeDtypeStruct((_NC, _NR, 2, 128), bf16)],
        mesh=mesh,
        scratch_types=[
            pltpu.VMEM_SHARED((_NR, 2, 128), bf16),
            pltpu.VMEM((_EPT2,), jnp.int32),
            pltpu.VMEM((_EPT2,), jnp.int32),
            pltpu.VMEM((_K, 2, 128), bf16),
            pltpu.VMEM((_K, 2, 128), bf16),
        ] + [pltpu.SemaphoreType.DMA] * 4,
        compiler_params=pltpu.CompilerParams(needs_layout_passes=False,
                                             use_tc_tiling_on_sc=False),
    )


def _sc_agg1(*args):
    return _make_sc_l1()(*args)


def _sc_agg2(*args):
    return _make_sc_l2()(*args)


def _make_tc_r1(bn):
    f32 = jnp.float32

    def body(x_r, wr_r, b_r, out_r):
        xx = jnp.concatenate([x_r[:, 0, :], x_r[:, 1, :]], axis=1)
        out_r[...] = jnp.dot(xx, wr_r[...],
                             preferred_element_type=f32) + b_r[...]

    return pl.pallas_call(
        body,
        grid=(_N // bn,),
        in_specs=[
            pl.BlockSpec((bn, 2, 128), lambda i: (i, 0, 0)),
            pl.BlockSpec((256, 512), lambda i: (0, 0)),
            pl.BlockSpec((1, 512), lambda i: (0, 0)),
        ],
        out_specs=pl.BlockSpec((bn, 512), lambda i: (i, 0)),
        out_shape=jax.ShapeDtypeStruct((_N, 512), f32),
    )


def _make_tc1b(bn):
    f32 = jnp.float32

    def body(agg_r, cnt_r, r1_r, wl_r, out_r, cnt_o):
        ap = agg_r[0].astype(f32) + agg_r[1].astype(f32)
        a = jnp.concatenate([ap[:, 0, :], ap[:, 1, :]], axis=1)
        cnt = jnp.sum(cnt_r[...], axis=1)[:, None]
        cnt_o[...] = cnt
        inv = 1.0 / jnp.maximum(cnt, 1.0)
        ab = (a * inv).astype(jnp.bfloat16)
        h = jnp.dot(ab, wl_r[...], preferred_element_type=f32) + r1_r[...]
        h = jnp.maximum(h, 0.0).astype(jnp.bfloat16)
        for j in range(2):
            for t in range(2):
                out_r[j, :, t, :] = h[:, j * 256 + t * 128:
                                      j * 256 + (t + 1) * 128]

    return pl.pallas_call(
        body,
        grid=(_N // bn,),
        in_specs=[
            pl.BlockSpec((2, bn, 2, 128), lambda i: (0, i, 0, 0)),
            pl.BlockSpec((bn, 32), lambda i: (i, 0)),
            pl.BlockSpec((bn, 512), lambda i: (i, 0)),
            pl.BlockSpec((256, 512), lambda i: (0, 0)),
        ],
        out_specs=[
            pl.BlockSpec((2, bn, 2, 128), lambda i: (0, i, 0, 0)),
            pl.BlockSpec((bn, 1), lambda i: (i, 0)),
        ],
        out_shape=[
            jax.ShapeDtypeStruct((2, _NP, 2, 128), jnp.bfloat16),
            jax.ShapeDtypeStruct((_N, 1), f32),
        ],
    )


def _make_tc2a(bn):
    f32 = jnp.float32

    def body(h_r, wr_r, out_r):
        hh = jnp.concatenate([h_r[j][:, t, :]
                              for j in range(2) for t in range(2)], axis=1)
        out_r[...] = jnp.dot(hh, wr_r[...], preferred_element_type=f32)

    return pl.pallas_call(
        body,
        grid=(_N // bn,),
        in_specs=[
            pl.BlockSpec((2, bn, 2, 128), lambda i: (0, i, 0, 0)),
            pl.BlockSpec((512, 512), lambda i: (0, 0)),
        ],
        out_specs=pl.BlockSpec((bn, 512), lambda i: (i, 0)),
        out_shape=jax.ShapeDtypeStruct((_N, 512), f32),
    )


def _make_tc2b(bn):
    f32 = jnp.float32

    def body(agg_r, cnt_r, r2_r, wl_r, b_r, out_r):
        a = jnp.concatenate([agg_r[j][:, t, :].astype(f32)
                             for j in range(2) for t in range(2)], axis=1)
        inv = 1.0 / jnp.maximum(cnt_r[...], 1.0)
        ab = (a * inv).astype(jnp.bfloat16)
        o = jnp.dot(ab, wl_r[...], preferred_element_type=f32)
        out_r[...] = o + r2_r[...] + b_r[...]

    return pl.pallas_call(
        body,
        grid=(_N // bn,),
        in_specs=[
            pl.BlockSpec((2, bn, 2, 128), lambda i: (0, i, 0, 0)),
            pl.BlockSpec((bn, 1), lambda i: (i, 0)),
            pl.BlockSpec((bn, 512), lambda i: (i, 0)),
            pl.BlockSpec((512, 512), lambda i: (0, 0)),
            pl.BlockSpec((1, 512), lambda i: (0, 0)),
        ],
        out_specs=pl.BlockSpec((bn, 512), lambda i: (i, 0)),
        out_shape=jax.ShapeDtypeStruct((_N, 512), f32),
    )


_tc_r1 = _make_tc_r1(1000)
_tc1b = _make_tc1b(1000)
_tc2a = _make_tc2a(1000)
_tc2b = _make_tc2b(1000)


def kernel(x, edge_index, Wl1, Wr1, b1, Wl2, Wr2, b2):
    f32 = jnp.float32
    bf16 = jnp.bfloat16
    src = edge_index[0].astype(jnp.int32)
    dst = edge_index[1].astype(jnp.int32)
    fill = jnp.full((_EP - _E,), _PAD_ID, jnp.int32)
    src_p = jnp.concatenate([src, fill])
    dst_p = jnp.concatenate([dst, fill])
    src1 = src_p.reshape(_NC, _NS, _EPT1)
    dst1 = dst_p.reshape(_NC, _NS, _EPT1)
    src2 = src_p.reshape(_NS, _EPT2)
    dst2 = dst_p.reshape(_NS, _EPT2)

    xb = jnp.pad(x.astype(bf16), ((0, _NP - _N), (0, 0))).reshape(_NP, 2, 128)

    zrow = jnp.zeros((_OPT, 2, 128), bf16)
    zflat = jnp.zeros((_NR,), f32)

    r1 = _tc_r1(xb, Wr1.T.astype(bf16), b1.reshape(1, -1))
    agg1, cnt32 = _sc_agg1(xb, src1, dst1, zrow, zflat)
    cnt_t = cnt32.reshape(_NC * _NS, _NR).T
    h2, cntc = _tc1b(agg1, cnt_t, r1, Wl1.T.astype(bf16))
    r2 = _tc2a(h2, Wr2.T.astype(bf16))
    (agg2,) = _sc_agg2(h2, src2, dst2, zrow)
    out = _tc2b(agg2, cntc, r2, Wl2.T.astype(bf16), b2.reshape(1, -1))
    return out

# --- scband reference (transcript-rebuilt; emitter-appended) ---
"""Pipeline reference for scband-social-gnn-68959994905349 (READ-ONLY COPY).

The authoritative reference and input builder live on the scoring server;
editing this copy changes nothing except your own understanding.
"""

import jax, jax.numpy as jnp
import numpy as np

N_NODES = 10000
N_EDGES = 160000
D_IN = 256
D_HID = 512
D_OUT = 512


def setup_inputs(seed: int = 0) -> dict:
    key = jax.random.key(seed)
    ks = jax.random.split(key, 10)
    x = jax.random.normal(ks[0], (N_NODES, D_IN), dtype=jnp.float32)
    edge_index = jax.random.randint(ks[1], (2, N_EDGES), 0, N_NODES, dtype=jnp.int64)
    # SAGEConv layer 1 params (PyG: lin_l applied to aggregated neighbors w/ bias, lin_r applied to root w/o bias)
    s1 = 1.0 / np.sqrt(D_IN)
    Wl1 = jax.random.uniform(ks[2], (D_HID, D_IN), jnp.float32, -s1, s1)
    Wr1 = jax.random.uniform(ks[3], (D_HID, D_IN), jnp.float32, -s1, s1)
    b1 = jnp.zeros((D_HID,), jnp.float32)
    s2 = 1.0 / np.sqrt(D_HID)
    Wl2 = jax.random.uniform(ks[4], (D_OUT, D_HID), jnp.float32, -s2, s2)
    Wr2 = jax.random.uniform(ks[5], (D_OUT, D_HID), jnp.float32, -s2, s2)
    b2 = jnp.zeros((D_OUT,), jnp.float32)
    return {"x": x, "edge_index": edge_index, "Wl1": Wl1, "Wr1": Wr1, "b1": b1,
            "Wl2": Wl2, "Wr2": Wr2, "b2": b2}


def _sage_conv(x, edge_index, Wl, Wr, b):
    src = edge_index[0]
    dst = edge_index[1]
    n = x.shape[0]
    msgs = jnp.take(x, src, axis=0)                       # gather [E, d]
    agg = jax.ops.segment_sum(msgs, dst, num_segments=n)  # scatter-add
    cnt = jax.ops.segment_sum(jnp.ones((edge_index.shape[1],), x.dtype), dst, num_segments=n)
    agg = agg / jnp.clip(cnt, 1.0, None)[:, None]         # mean aggregation
    return agg @ Wl.T + b + x @ Wr.T


def reference(x, edge_index, Wl1, Wr1, b1, Wl2, Wr2, b2):
    h = _sage_conv(x, edge_index, Wl1, Wr1, b1)
    h = jax.nn.relu(h)
    # dropout p=0.5 is identity in eval mode
    out = _sage_conv(h, edge_index, Wl2, Wr2, b2)
    return out

if __name__ == "__main__":
    import jax
    _d = setup_inputs()
    print(jax.jit(kernel)(*tuple(_d.values())))

</pallas_src>

<mosaic_0001>
#map = affine_map<(d0, d1) -> (0, 0, 0)>
#map1 = affine_map<(d0, d1) -> (0)>
#map2 = affine_map<(d0, d1) -> (0, 0, 0, 0)>
module attributes {stable_mosaic.version = 14 : i64} {
  func.func @_sc_l1_body(%arg0: i32, %arg1: i32, %arg2: memref<10240x2x128xbf16, #tpu.memory_space<hbm>>, %arg3: memref<2x16x5120xi32, #tpu.memory_space<hbm>>, %arg4: memref<2x16x5120xi32, #tpu.memory_space<hbm>>, %arg5: memref<632x2x128xbf16, #tpu.memory_space<hbm>>, %arg6: memref<10112xf32, #tpu.memory_space<hbm>>, %arg7: memref<2x10112x2x128xbf16, #tpu.memory_space<hbm>>, %arg8: memref<2x16x10112xf32, #tpu.memory_space<hbm>>, %arg9: memref<10112x2x128xbf16, #tpu.memory_space<vmem_shared>>, %arg10: memref<5120xi32, #tpu.memory_space<vmem>>, %arg11: memref<5120xi32, #tpu.memory_space<vmem>>, %arg12: memref<64x2x128xbf16, #tpu.memory_space<vmem>>, %arg13: memref<64x2x128xbf16, #tpu.memory_space<vmem>>, %arg14: memref<10112xf32, #tpu.memory_space<vmem>>, %arg15: memref<!tpu.dma_semaphore, #tpu.memory_space<semaphore_mem>>, %arg16: memref<!tpu.dma_semaphore, #tpu.memory_space<semaphore_mem>>, %arg17: memref<!tpu.dma_semaphore, #tpu.memory_space<semaphore_mem>>, %arg18: memref<!tpu.dma_semaphore, #tpu.memory_space<semaphore_mem>>) attributes {dimension_semantics = [#tpu.dimension_semantics<core_parallel>, #tpu.dimension_semantics<subcore_parallel>], iteration_bounds = array<i64: 2, 16>, scalar_prefetch = 0 : i64, scratch_operands = 10 : i64, tpu.core_type = #tpu.core_type<sc_vector_subcore>, window_params = [{transform_indices = #map}, {transform_indices = #map}, {transform_indices = #map}, {transform_indices = #map}, {transform_indices = #map1}, {transform_indices = #map2}, {transform_indices = #map}]} {
    "tpu.region"() ({
      %run_scoped3A = tpu.sem_alloc : memref<!tpu.dma_semaphore, #tpu.memory_space<semaphore_mem>>
      %dma_start3A_81 = arith.constant 0 : i32
      %dma_start3A_82 = arith.constant 0 : i32
      %dma_start3A_83 = tpu.memref_slice %arg3[%arg0, %dma_start3A_81, %dma_start3A_82] : memref<2x16x5120xi32, #tpu.memory_space<hbm>> -> memref<1x16x5120xi32, #tpu.memory_space<hbm>>
      %dma_start3A_84 = tpu.memref_squeeze %dma_start3A_83 : memref<1x16x5120xi32, #tpu.memory_space<hbm>> -> memref<16x5120xi32, #tpu.memory_space<hbm>>
      %dma_start3A_85 = arith.constant 0 : i32
      %dma_start3A_86 = tpu.memref_slice %dma_start3A_84[%arg1, %dma_start3A_85] : memref<16x5120xi32, #tpu.memory_space<hbm>> -> memref<1x5120xi32, #tpu.memory_space<hbm>>
      %dma_start3A_87 = tpu.memref_squeeze %dma_start3A_86 : memref<1x5120xi32, #tpu.memory_space<hbm>> -> memref<5120xi32, #tpu.memory_space<hbm>>
      %dma_start3A_88 = arith.constant 0 : i32
      %dma_start3A_89 = arith.constant 0 : i32
      %dma_start3A_90 = tpu.memref_slice %arg3[%arg0, %dma_start3A_88, %dma_start3A_89] : memref<2x16x5120xi32, #tpu.memory_space<hbm>> -> memref<1x16x5120xi32, #tpu.memory_space<hbm>>
      %dma_start3A_91 = tpu.memref_squeeze %dma_start3A_90 : memref<1x16x5120xi32, #tpu.memory_space<hbm>> -> memref<16x5120xi32, #tpu.memory_space<hbm>>
      %dma_start3A_92 = arith.constant 0 : i32
      %dma_start3A_93 = tpu.memref_slice %dma_start3A_91[%arg1, %dma_start3A_92] : memref<16x5120xi32, #tpu.memory_space<hbm>> -> memref<1x5120xi32, #tpu.memory_space<hbm>>
      %dma_start3A_94 = tpu.memref_squeeze %dma_start3A_93 : memref<1x5120xi32, #tpu.memory_space<hbm>> -> memref<5120xi32, #tpu.memory_space<hbm>>
      tpu.enqueue_dma source(%dma_start3A_94 : memref<5120xi32, #tpu.memory_space<hbm>>) target(%arg10 : memref<5120xi32, #tpu.memory_space<vmem>>) target_semaphore(%run_scoped3A : memref<!tpu.dma_semaphore, #tpu.memory_space<semaphore_mem>>)
      %dma_wait3A_95 = arith.constant 0 : i32
      %dma_wait3A_96 = arith.constant 0 : i32
      %dma_wait3A_97 = tpu.memref_slice %arg3[%arg0, %dma_wait3A_95, %dma_wait3A_96] : memref<2x16x5120xi32, #tpu.memory_space<hbm>> -> memref<1x16x5120xi32, #tpu.memory_space<hbm>>
      %dma_wait3A_98 = tpu.memref_squeeze %dma_wait3A_97 : memref<1x16x5120xi32, #tpu.memory_space<hbm>> -> memref<16x5120xi32, #tpu.memory_space<hbm>>
      %dma_wait3A_99 = arith.constant 0 : i32
      %dma_wait3A_100 = tpu.memref_slice %dma_wait3A_98[%arg1, %dma_wait3A_99] : memref<16x5120xi32, #tpu.memory_space<hbm>> -> memref<1x5120xi32, #tpu.memory_space<hbm>>
      %dma_wait3A_101 = tpu.memref_squeeze %dma_wait3A_100 : memref<1x5120xi32, #tpu.memory_space<hbm>> -> memref<5120xi32, #tpu.memory_space<hbm>>
      %dma_wait3A_102 = arith.constant 0 : i32
      %dma_wait3A_103 = arith.constant 0 : i32
      %dma_wait3A_104 = tpu.memref_slice %arg3[%arg0, %dma_wait3A_102, %dma_wait3A_103] : memref<2x16x5120xi32, #tpu.memory_space<hbm>> -> memref<1x16x5120xi32, #tpu.memory_space<hbm>>
      %dma_wait3A_105 = tpu.memref_squeeze %dma_wait3A_104 : memref<1x16x5120xi32, #tpu.memory_space<hbm>> -> memref<16x5120xi32, #tpu.memory_space<hbm>>
      %dma_wait3A_106 = arith.constant 0 : i32
      %dma_wait3A_107 = tpu.memref_slice %dma_wait3A_105[%arg1, %dma_wait3A_106] : memref<16x5120xi32, #tpu.memory_space<hbm>> -> memref<1x5120xi32, #tpu.memory_space<hbm>>
      %dma_wait3A_108 = tpu.memref_squeeze %dma_wait3A_107 : memref<1x5120xi32, #tpu.memory_space<hbm>> -> memref<5120xi32, #tpu.memory_space<hbm>>
      tpu.wait_dma2 semaphore(%run_scoped3A : memref<!tpu.dma_semaphore, #tpu.memory_space<semaphore_mem>>) src(%dma_wait3A_108 : memref<5120xi32, #tpu.memory_space<hbm>>) dst(%arg10 : memref<5120xi32, #tpu.memory_space<vmem>>)
      tpu.yield
    }) : () -> ()
    "tpu.region"() ({
      %run_scoped3A = tpu.sem_alloc : memref<!tpu.dma_semaphore, #tpu.memory_space<semaphore_mem>>
      %dma_start3A_81 = arith.constant 0 : i32
      %dma_start3A_82 = arith.constant 0 : i32
      %dma_start3A_83 = tpu.memref_slice %arg4[%arg0, %dma_start3A_81, %dma_start3A_82] : memref<2x16x5120xi32, #tpu.memory_space<hbm>> -> memref<1x16x5120xi32, #tpu.memory_space<hbm>>
      %dma_start3A_84 = tpu.memref_squeeze %dma_start3A_83 : memref<1x16x5120xi32, #tpu.memory_space<hbm>> -> memref<16x5120xi32, #tpu.memory_space<hbm>>
      %dma_start3A_85 = arith.constant 0 : i32
      %dma_start3A_86 = tpu.memref_slice %dma_start3A_84[%arg1, %dma_start3A_85] : memref<16x5120xi32, #tpu.memory_space<hbm>> -> memref<1x5120xi32, #tpu.memory_space<hbm>>
      %dma_start3A_87 = tpu.memref_squeeze %dma_start3A_86 : memref<1x5120xi32, #tpu.memory_space<hbm>> -> memref<5120xi32, #tpu.memory_space<hbm>>
      %dma_start3A_88 = arith.constant 0 : i32
      %dma_start3A_89 = arith.constant 0 : i32
      %dma_start3A_90 = tpu.memref_slice %arg4[%arg0, %dma_start3A_88, %dma_start3A_89] : memref<2x16x5120xi32, #tpu.memory_space<hbm>> -> memref<1x16x5120xi32, #tpu.memory_space<hbm>>
      %dma_start3A_91 = tpu.memref_squeeze %dma_start3A_90 : memref<1x16x5120xi32, #tpu.memory_space<hbm>> -> memref<16x5120xi32, #tpu.memory_space<hbm>>
      %dma_start3A_92 = arith.constant 0 : i32
      %dma_start3A_93 = tpu.memref_slice %dma_start3A_91[%arg1, %dma_start3A_92] : memref<16x5120xi32, #tpu.memory_space<hbm>> -> memref<1x5120xi32, #tpu.memory_space<hbm>>
      %dma_start3A_94 = tpu.memref_squeeze %dma_start3A_93 : memref<1x5120xi32, #tpu.memory_space<hbm>> -> memref<5120xi32, #tpu.memory_space<hbm>>
      tpu.enqueue_dma source(%dma_start3A_94 : memref<5120xi32, #tpu.memory_space<hbm>>) target(%arg11 : memref<5120xi32, #tpu.memory_space<vmem>>) target_semaphore(%run_scoped3A : memref<!tpu.dma_semaphore, #tpu.memory_space<semaphore_mem>>)
      %dma_wait3A_95 = arith.constant 0 : i32
      %dma_wait3A_96 = arith.constant 0 : i32
      %dma_wait3A_97 = tpu.memref_slice %arg4[%arg0, %dma_wait3A_95, %dma_wait3A_96] : memref<2x16x5120xi32, #tpu.memory_space<hbm>> -> memref<1x16x5120xi32, #tpu.memory_space<hbm>>
      %dma_wait3A_98 = tpu.memref_squeeze %dma_wait3A_97 : memref<1x16x5120xi32, #tpu.memory_space<hbm>> -> memref<16x5120xi32, #tpu.memory_space<hbm>>
      %dma_wait3A_99 = arith.constant 0 : i32
      %dma_wait3A_100 = tpu.memref_slice %dma_wait3A_98[%arg1, %dma_wait3A_99] : memref<16x5120xi32, #tpu.memory_space<hbm>> -> memref<1x5120xi32, #tpu.memory_space<hbm>>
      %dma_wait3A_101 = tpu.memref_squeeze %dma_wait3A_100 : memref<1x5120xi32, #tpu.memory_space<hbm>> -> memref<5120xi32, #tpu.memory_space<hbm>>
      %dma_wait3A_102 = arith.constant 0 : i32
      %dma_wait3A_103 = arith.constant 0 : i32
      %dma_wait3A_104 = tpu.memref_slice %arg4[%arg0, %dma_wait3A_102, %dma_wait3A_103] : memref<2x16x5120xi32, #tpu.memory_space<hbm>> -> memref<1x16x5120xi32, #tpu.memory_space<hbm>>
      %dma_wait3A_105 = tpu.memref_squeeze %dma_wait3A_104 : memref<1x16x5120xi32, #tpu.memory_space<hbm>> -> memref<16x5120xi32, #tpu.memory_space<hbm>>
      %dma_wait3A_106 = arith.constant 0 : i32
      %dma_wait3A_107 = tpu.memref_slice %dma_wait3A_105[%arg1, %dma_wait3A_106] : memref<16x5120xi32, #tpu.memory_space<hbm>> -> memref<1x5120xi32, #tpu.memory_space<hbm>>
      %dma_wait3A_108 = tpu.memref_squeeze %dma_wait3A_107 : memref<1x5120xi32, #tpu.memory_space<hbm>> -> memref<5120xi32, #tpu.memory_space<hbm>>
      tpu.wait_dma2 semaphore(%run_scoped3A : memref<!tpu.dma_semaphore, #tpu.memory_space<semaphore_mem>>) src(%dma_wait3A_108 : memref<5120xi32, #tpu.memory_space<hbm>>) dst(%arg11 : memref<5120xi32, #tpu.memory_space<vmem>>)
      tpu.yield
    }) : () -> ()
    "tpu.region"() ({
      %run_scoped3A = tpu.sem_alloc : memref<!tpu.dma_semaphore, #tpu.memory_space<semaphore_mem>>
      tpu.enqueue_dma source(%arg6 : memref<10112xf32, #tpu.memory_space<hbm>>) target(%arg14 : memref<10112xf32, #tpu.memory_space<vmem>>) target_semaphore(%run_scoped3A : memref<!tpu.dma_semaphore, #tpu.memory_space<semaphore_mem>>)
      tpu.wait_dma2 semaphore(%run_scoped3A : memref<!tpu.dma_semaphore, #tpu.memory_space<semaphore_mem>>) src(%arg6 : memref<10112xf32, #tpu.memory_space<hbm>>) dst(%arg14 : memref<10112xf32, #tpu.memory_space<vmem>>)
      tpu.yield
    }) : () -> ()
    %mul3A = arith.constant 632 : i32
    %mul3A_0 = arith.muli %arg1, %mul3A : i32
    "tpu.region"() ({
      %run_scoped3A = tpu.sem_alloc : memref<!tpu.dma_semaphore, #tpu.memory_space<semaphore_mem>>
      %dma_start3A_81 = arith.constant 0 : i32
      %dma_start3A_82 = arith.constant 0 : i32
      %dma_start3A_83 = tpu.memref_slice %arg9[%mul3A_0, %dma_start3A_81, %dma_start3A_82] : memref<10112x2x128xbf16, #tpu.memory_space<vmem_shared>> -> memref<632x2x128xbf16, #tpu.memory_space<vmem_shared>>
      tpu.enqueue_dma source(%arg5 : memref<632x2x128xbf16, #tpu.memory_space<hbm>>) target(%dma_start3A_83 : memref<632x2x128xbf16, #tpu.memory_space<vmem_shared>>) target_semaphore(%run_scoped3A : memref<!tpu.dma_semaphore, #tpu.memory_space<semaphore_mem>>)
      %dma_wait3A_84 = arith.constant 0 : i32
      %dma_wait3A_85 = arith.constant 0 : i32
      %dma_wait3A_86 = tpu.memref_slice %arg9[%mul3A_0, %dma_wait3A_84, %dma_wait3A_85] : memref<10112x2x128xbf16, #tpu.memory_space<vmem_shared>> -> memref<632x2x128xbf16, #tpu.memory_space<vmem_shared>>
      tpu.wait_dma2 semaphore(%run_scoped3A : memref<!tpu.dma_semaphore, #tpu.memory_space<semaphore_mem>>) src(%arg5 : memref<632x2x128xbf16, #tpu.memory_space<hbm>>) dst(%dma_wait3A_86 : memref<632x2x128xbf16, #tpu.memory_space<vmem_shared>>)
      tpu.yield
    }) : () -> ()
    %barrier3A = arith.constant 0 : index
    tpu.barrier barrier_id(%barrier3A)
    %broadcast_in_dim3A = arith.constant 1.000000e+00 : f32
    %broadcast_in_dim3A_1 = vector.broadcast %broadcast_in_dim3A : f32 to vector<16xf32>
    %dma_start3A = arith.constant 0 : i32
    %dma_start3A_2 = tpu.memref_slice %arg10[%dma_start3A] : memref<5120xi32, #tpu.memory_space<vmem>> -> memref<64xi32, #tpu.memory_space<vmem>>
    %dma_start3A_3 = arith.constant 0 : i32
    %dma_start3A_4 = arith.constant 0 : i32
    %dma_start3A_5 = arith.constant 0 : i32
    %dma_start3A_6 = tpu.memref_slice %arg2[%dma_start3A_3, %dma_start3A_4, %dma_start3A_5] : memref<10240x2x128xbf16, #tpu.memory_space<hbm>> -> memref<10240x2x128xbf16, #tpu.memory_space<hbm>>
    tpu.enqueue_indirect_dma source(%dma_start3A_6 : memref<10240x2x128xbf16, #tpu.memory_space<hbm>>) target(%arg12 : memref<64x2x128xbf16, #tpu.memory_space<vmem>>) offsets(%dma_start3A_2 : memref<64xi32, #tpu.memory_space<vmem>>) semaphore(%arg15 : memref<!tpu.dma_semaphore, #tpu.memory_space<semaphore_mem>>)
    %dma_wait3A = arith.constant 0 : i32
    %dma_wait3A_7 = arith.constant 0 : i32
    %dma_wait3A_8 = arith.constant 0 : i32
    %dma_wait3A_9 = tpu.memref_slice %arg5[%dma_wait3A, %dma_wait3A_7, %dma_wait3A_8] : memref<632x2x128xbf16, #tpu.memory_space<hbm>> -> memref<64x2x128xbf16, #tpu.memory_space<hbm>>
    %dma_wait3A_10 = arith.constant 0 : i32
    %dma_wait3A_11 = arith.constant 0 : i32
    %dma_wait3A_12 = arith.constant 0 : i32
    %dma_wait3A_13 = tpu.memref_slice %arg5[%dma_wait3A_10, %dma_wait3A_11, %dma_wait3A_12] : memref<632x2x128xbf16, #tpu.memory_space<hbm>> -> memref<64x2x128xbf16, #tpu.memory_space<hbm>>
    tpu.wait_dma2 semaphore(%arg15 : memref<!tpu.dma_semaphore, #tpu.memory_space<semaphore_mem>>) src(%dma_wait3A_13 : memref<64x2x128xbf16, #tpu.memory_space<hbm>>) dst(%arg12 : memref<64x2x128xbf16, #tpu.memory_space<vmem>>)
    %dma_start3A_14 = arith.constant 0 : i32
    %dma_start3A_15 = tpu.memref_slice %arg11[%dma_start3A_14] : memref<5120xi32, #tpu.memory_space<vmem>> -> memref<64xi32, #tpu.memory_space<vmem>>
    %dma_start3A_16 = arith.constant 0 : i32
    %dma_start3A_17 = arith.constant 0 : i32
    %dma_start3A_18 = arith.constant 0 : i32
    %dma_start3A_19 = tpu.memref_slice %arg9[%dma_start3A_16, %dma_start3A_17, %dma_start3A_18] : memref<10112x2x128xbf16, #tpu.memory_space<vmem_shared>> -> memref<10112x2x128xbf16, #tpu.memory_space<vmem_shared>>
    tpu.enqueue_indirect_dma source(%arg12 : memref<64x2x128xbf16, #tpu.memory_space<vmem>>) target(%dma_start3A_19 : memref<10112x2x128xbf16, #tpu.memory_space<vmem_shared>>) offsets(%dma_start3A_15 : memref<64xi32, #tpu.memory_space<vmem>>) semaphore(%arg17 : memref<!tpu.dma_semaphore, #tpu.memory_space<semaphore_mem>>) {add = true}
    %get3A = arith.constant 0 : index
    %get3A_20 = tpu.vector_load %arg11[%get3A] {strides = array<i32>} : memref<5120xi32, #tpu.memory_space<vmem>>, vector<16xi32>,
    tpu.vector_store_idx %arg14[%get3A_20], %broadcast_in_dim3A_1 {add = true} : memref<10112xf32, #tpu.memory_space<vmem>>[vector<16xi32>], vector<16xf32>,
    %get3A_21 = arith.constant 16 : index
    %get3A_22 = tpu.vector_load %arg11[%get3A_21] {strides = array<i32>} : memref<5120xi32, #tpu.memory_space<vmem>>, vector<16xi32>,
    tpu.vector_store_idx %arg14[%get3A_22], %broadcast_in_dim3A_1 {add = true} : memref<10112xf32, #tpu.memory_space<vmem>>[vector<16xi32>], vector<16xf32>,
    %get3A_23 = arith.constant 32 : index
    %get3A_24 = tpu.vector_load %arg11[%get3A_23] {strides = array<i32>} : memref<5120xi32, #tpu.memory_space<vmem>>, vector<16xi32>,
    tpu.vector_store_idx %arg14[%get3A_24], %broadcast_in_dim3A_1 {add = true} : memref<10112xf32, #tpu.memory_space<vmem>>[vector<16xi32>], vector<16xf32>,
    %get3A_25 = arith.constant 48 : index
    %get3A_26 = tpu.vector_load %arg11[%get3A_25] {strides = array<i32>} : memref<5120xi32, #tpu.memory_space<vmem>>, vector<16xi32>,
    tpu.vector_store_idx %arg14[%get3A_26], %broadcast_in_dim3A_1 {add = true} : memref<10112xf32, #tpu.memory_space<vmem>>[vector<16xi32>], vector<16xf32>,
    %dma_start3A_27 = arith.constant 64 : i32
    %dma_start3A_28 = tpu.memref_slice %arg10[%dma_start3A_27] : memref<5120xi32, #tpu.memory_space<vmem>> -> memref<64xi32, #tpu.memory_space<vmem>>
    %dma_start3A_29 = arith.constant 0 : i32
    %dma_start3A_30 = arith.constant 0 : i32
    %dma_start3A_31 = arith.constant 0 : i32
    %dma_start3A_32 = tpu.memref_slice %arg2[%dma_start3A_29, %dma_start3A_30, %dma_start3A_31] : memref<10240x2x128xbf16, #tpu.memory_space<hbm>> -> memref<10240x2x128xbf16, #tpu.memory_space<hbm>>
    tpu.enqueue_indirect_dma source(%dma_start3A_32 : memref<10240x2x128xbf16, #tpu.memory_space<hbm>>) target(%arg13 : memref<64x2x128xbf16, #tpu.memory_space<vmem>>) offsets(%dma_start3A_28 : memref<64xi32, #tpu.memory_space<vmem>>) semaphore(%arg16 : memref<!tpu.dma_semaphore, #tpu.memory_space<semaphore_mem>>)
    %scan3A = arith.constant 0 : i32
    %scan3A_33 = arith.constant 0 : i32
    %scan3A_34 = arith.constant 39 : i32
    %scan3A_35 = arith.addi %scan3A_33, %scan3A_34 : i32
    %scan3A_36 = arith.constant 1 : i32
    scf.for %scan3A_81 = %scan3A_33 to %scan3A_35 step %scan3A_36  : i32 {
      %mul3A_82 = arith.constant 2 : i32
      %mul3A_83 = arith.muli %mul3A_82, %scan3A_81 : i32
      %add3A = arith.constant 1 : i32
      %add3A_84 = arith.addi %mul3A_83, %add3A : i32
      %dma_wait3A_85 = arith.constant 0 : i32
      %dma_wait3A_86 = arith.constant 0 : i32
      %dma_wait3A_87 = arith.constant 0 : i32
      %dma_wait3A_88 = tpu.memref_slice %arg5[%dma_wait3A_85, %dma_wait3A_86, %dma_wait3A_87] : memref<632x2x128xbf16, #tpu.memory_space<hbm>> -> memref<64x2x128xbf16, #tpu.memory_space<hbm>>
      %dma_wait3A_89 = arith.constant 0 : i32
      %dma_wait3A_90 = arith.constant 0 : i32
      %dma_wait3A_91 = arith.constant 0 : i32
      %dma_wait3A_92 = tpu.memref_slice %arg5[%dma_wait3A_89, %dma_wait3A_90, %dma_wait3A_91] : memref<632x2x128xbf16, #tpu.memory_space<hbm>> -> memref<64x2x128xbf16, #tpu.memory_space<hbm>>
      tpu.wait_dma2 semaphore(%arg16 : memref<!tpu.dma_semaphore, #tpu.memory_space<semaphore_mem>>) src(%dma_wait3A_92 : memref<64x2x128xbf16, #tpu.memory_space<hbm>>) dst(%arg13 : memref<64x2x128xbf16, #tpu.memory_space<vmem>>)
      %mul3A_93 = arith.constant 64 : i32
      %mul3A_94 = arith.muli %add3A_84, %mul3A_93 : i32
      %dma_start3A_95 = tpu.memref_slice %arg11[%mul3A_94] : memref<5120xi32, #tpu.memory_space<vmem>> -> memref<64xi32, #tpu.memory_space<vmem>>
      %dma_start3A_96 = arith.constant 0 : i32
      %dma_start3A_97 = arith.constant 0 : i32
      %dma_start3A_98 = arith.constant 0 : i32
      %dma_start3A_99 = tpu.memref_slice %arg9[%dma_start3A_96, %dma_start3A_97, %dma_start3A_98] : memref<10112x2x128xbf16, #tpu.memory_space<vmem_shared>> -> memref<10112x2x128xbf16, #tpu.memory_space<vmem_shared>>
      tpu.enqueue_indirect_dma source(%arg13 : memref<64x2x128xbf16, #tpu.memory_space<vmem>>) target(%dma_start3A_99 : memref<10112x2x128xbf16, #tpu.memory_space<vmem_shared>>) offsets(%dma_start3A_95 : memref<64xi32, #tpu.memory_space<vmem>>) semaphore(%arg18 : memref<!tpu.dma_semaphore, #tpu.memory_space<semaphore_mem>>) {add = true}
      %mul3A_100 = arith.constant 64 : i32
      %mul3A_101 = arith.muli %add3A_84, %mul3A_100 : i32
      %add3A_102 = arith.constant 0 : i32
      %add3A_103 = arith.addi %mul3A_101, %add3A_102 : i32
      %get3A_104 = arith.index_cast %add3A_103 : i32 to index
      %get3A_105 = tpu.vector_load %arg11[%get3A_104] {strides = array<i32>} : memref<5120xi32, #tpu.memory_space<vmem>>, vector<16xi32>,
      tpu.vector_store_idx %arg14[%get3A_105], %broadcast_in_dim3A_1 {add = true} : memref<10112xf32, #tpu.memory_space<vmem>>[vector<16xi32>], vector<16xf32>,
      %mul3A_106 = arith.constant 64 : i32
      %mul3A_107 = arith.muli %add3A_84, %mul3A_106 : i32
      %add3A_108 = arith.constant 16 : i32
      %add3A_109 = arith.addi %mul3A_107, %add3A_108 : i32
      %get3A_110 = arith.index_cast %add3A_109 : i32 to index
      %get3A_111 = tpu.vector_load %arg11[%get3A_110] {strides = array<i32>} : memref<5120xi32, #tpu.memory_space<vmem>>, vector<16xi32>,
      tpu.vector_store_idx %arg14[%get3A_111], %broadcast_in_dim3A_1 {add = true} : memref<10112xf32, #tpu.memory_space<vmem>>[vector<16xi32>], vector<16xf32>,
      %mul3A_112 = arith.constant 64 : i32
      %mul3A_113 = arith.muli %add3A_84, %mul3A_112 : i32
      %add3A_114 = arith.constant 32 : i32
      %add3A_115 = arith.addi %mul3A_113, %add3A_114 : i32
      %get3A_116 = arith.index_cast %add3A_115 : i32 to index
      %get3A_117 = tpu.vector_load %arg11[%get3A_116] {strides = array<i32>} : memref<5120xi32, #tpu.memory_space<vmem>>, vector<16xi32>,
      tpu.vector_store_idx %arg14[%get3A_117], %broadcast_in_dim3A_1 {add = true} : memref<10112xf32, #tpu.memory_space<vmem>>[vector<16xi32>], vector<16xf32>,
      %mul3A_118 = arith.constant 64 : i32
      %mul3A_119 = arith.muli %add3A_84, %mul3A_118 : i32
      %add3A_120 = arith.constant 48 : i32
      %add3A_121 = arith.addi %mul3A_119, %add3A_120 : i32
      %get3A_122 = arith.index_cast %add3A_121 : i32 to index
      %get3A_123 = tpu.vector_load %arg11[%get3A_122] {strides = array<i32>} : memref<5120xi32, #tpu.memory_space<vmem>>, vector<16xi32>,
      tpu.vector_store_idx %arg14[%get3A_123], %broadcast_in_dim3A_1 {add = true} : memref<10112xf32, #tpu.memory_space<vmem>>[vector<16xi32>], vector<16xf32>,
      %dma_wait3A_124 = arith.constant 0 : i32
      %dma_wait3A_125 = arith.constant 0 : i32
      %dma_wait3A_126 = arith.constant 0 : i32
      %dma_wait3A_127 = tpu.memref_slice %arg5[%dma_wait3A_124, %dma_wait3A_125, %dma_wait3A_126] : memref<632x2x128xbf16, #tpu.memory_space<hbm>> -> memref<64x2x128xbf16, #tpu.memory_space<hbm>>
      %dma_wait3A_128 = arith.constant 0 : i32
      %dma_wait3A_129 = arith.constant 0 : i32
      %dma_wait3A_130 = arith.constant 0 : i32
      %dma_wait3A_131 = tpu.memref_slice %arg5[%dma_wait3A_128, %dma_wait3A_129, %dma_wait3A_130] : memref<632x2x128xbf16, #tpu.memory_space<hbm>> -> memref<64x2x128xbf16, #tpu.memory_space<hbm>>
      tpu.wait_dma2 semaphore(%arg17 : memref<!tpu.dma_semaphore, #tpu.memory_space<semaphore_mem>>) src(%dma_wait3A_131 : memref<64x2x128xbf16, #tpu.memory_space<hbm>>) dst(%arg12 : memref<64x2x128xbf16, #tpu.memory_space<vmem>>)
      %add3A_132 = arith.constant 1 : i32
      %add3A_133 = arith.addi %add3A_84, %add3A_132 : i32
      %mul3A_134 = arith.constant 64 : i32
      %mul3A_135 = arith.muli %add3A_133, %mul3A_134 : i32
      %dma_start3A_136 = tpu.memref_slice %arg10[%mul3A_135] : memref<5120xi32, #tpu.memory_space<vmem>> -> memref<64xi32, #tpu.memory_space<vmem>>
      %dma_start3A_137 = arith.constant 0 : i32
      %dma_start3A_138 = arith.constant 0 : i32
      %dma_start3A_139 = arith.constant 0 : i32
      %dma_start3A_140 = tpu.memref_slice %arg2[%dma_start3A_137, %dma_start3A_138, %dma_start3A_139] : memref<10240x2x128xbf16, #tpu.memory_space<hbm>> -> memref<10240x2x128xbf16, #tpu.memory_space<hbm>>
      tpu.enqueue_indirect_dma source(%dma_start3A_140 : memref<10240x2x128xbf16, #tpu.memory_space<hbm>>) target(%arg12 : memref<64x2x128xbf16, #tpu.memory_space<vmem>>) offsets(%dma_start3A_136 : memref<64xi32, #tpu.memory_space<vmem>>) semaphore(%arg15 : memref<!tpu.dma_semaphore, #tpu.memory_space<semaphore_mem>>)
      %mul3A_141 = arith.constant 2 : i32
      %mul3A_142 = arith.muli %mul3A_141, %scan3A_81 : i32
      %add3A_143 = arith.constant 2 : i32
      %add3A_144 = arith.addi %mul3A_142, %add3A_143 : i32
      %dma_wait3A_145 = arith.constant 0 : i32
      %dma_wait3A_146 = arith.constant 0 : i32
      %dma_wait3A_147 = arith.constant 0 : i32
      %dma_wait3A_148 = tpu.memref_slice %arg5[%dma_wait3A_145, %dma_wait3A_146, %dma_wait3A_147] : memref<632x2x128xbf16, #tpu.memory_space<hbm>> -> memref<64x2x128xbf16, #tpu.memory_space<hbm>>
      %dma_wait3A_149 = arith.constant 0 : i32
      %dma_wait3A_150 = arith.constant 0 : i32
      %dma_wait3A_151 = arith.constant 0 : i32
      %dma_wait3A_152 = tpu.memref_slice %arg5[%dma_wait3A_149, %dma_wait3A_150, %dma_wait3A_151] : memref<632x2x128xbf16, #tpu.memory_space<hbm>> -> memref<64x2x128xbf16, #tpu.memory_space<hbm>>
      tpu.wait_dma2 semaphore(%arg15 : memref<!tpu.dma_semaphore, #tpu.memory_space<semaphore_mem>>) src(%dma_wait3A_152 : memref<64x2x128xbf16, #tpu.memory_space<hbm>>) dst(%arg12 : memref<64x2x128xbf16, #tpu.memory_space<vmem>>)
      %mul3A_153 = arith.constant 64 : i32
      %mul3A_154 = arith.muli %add3A_144, %mul3A_153 : i32
      %dma_start3A_155 = tpu.memref_slice %arg11[%mul3A_154] : memref<5120xi32, #tpu.memory_space<vmem>> -> memref<64xi32, #tpu.memory_space<vmem>>
      %dma_start3A_156 = arith.constant 0 : i32
      %dma_start3A_157 = arith.constant 0 : i32
      %dma_start3A_158 = arith.constant 0 : i32
      %dma_start3A_159 = tpu.memref_slice %arg9[%dma_start3A_156, %dma_start3A_157, %dma_start3A_158] : memref<10112x2x128xbf16, #tpu.memory_space<vmem_shared>> -> memref<10112x2x128xbf16, #tpu.memory_space<vmem_shared>>
      tpu.enqueue_indirect_dma source(%arg12 : memref<64x2x128xbf16, #tpu.memory_space<vmem>>) target(%dma_start3A_159 : memref<10112x2x128xbf16, #tpu.memory_space<vmem_shared>>) offsets(%dma_start3A_155 : memref<64xi32, #tpu.memory_space<vmem>>) semaphore(%arg17 : memref<!tpu.dma_semaphore, #tpu.memory_space<semaphore_mem>>) {add = true}
      %mul3A_160 = arith.constant 64 : i32
      %mul3A_161 = arith.muli %add3A_144, %mul3A_160 : i32
      %add3A_162 = arith.constant 0 : i32
      %add3A_163 = arith.addi %mul3A_161, %add3A_162 : i32
      %get3A_164 = arith.index_cast %add3A_163 : i32 to index
      %get3A_165 = tpu.vector_load %arg11[%get3A_164] {strides = array<i32>} : memref<5120xi32, #tpu.memory_space<vmem>>, vector<16xi32>,
      tpu.vector_store_idx %arg14[%get3A_165], %broadcast_in_dim3A_1 {add = true} : memref<10112xf32, #tpu.memory_space<vmem>>[vector<16xi32>], vector<16xf32>,
      %mul3A_166 = arith.constant 64 : i32
      %mul3A_167 = arith.muli %add3A_144, %mul3A_166 : i32
      %add3A_168 = arith.constant 16 : i32
      %add3A_169 = arith.addi %mul3A_167, %add3A_168 : i32
      %get3A_170 = arith.index_cast %add3A_169 : i32 to index
      %get3A_171 = tpu.vector_load %arg11[%get3A_170] {strides = array<i32>} : memref<5120xi32, #tpu.memory_space<vmem>>, vector<16xi32>,
      tpu.vector_store_idx %arg14[%get3A_171], %broadcast_in_dim3A_1 {add = true} : memref<10112xf32, #tpu.memory_space<vmem>>[vector<16xi32>], vector<16xf32>,
      %mul3A_172 = arith.constant 64 : i32
      %mul3A_173 = arith.muli %add3A_144, %mul3A_172 : i32
      %add3A_174 = arith.constant 32 : i32
      %add3A_175 = arith.addi %mul3A_173, %add3A_174 : i32
      %get3A_176 = arith.index_cast %add3A_175 : i32 to index
      %get3A_177 = tpu.vector_load %arg11[%get3A_176] {strides = array<i32>} : memref<5120xi32, #tpu.memory_space<vmem>>, vector<16xi32>,
      tpu.vector_store_idx %arg14[%get3A_177], %broadcast_in_dim3A_1 {add = true} : memref<10112xf32, #tpu.memory_space<vmem>>[vector<16xi32>], vector<16xf32>,
      %mul3A_178 = arith.constant 64 : i32
      %mul3A_179 = arith.muli %add3A_144, %mul3A_178 : i32
      %add3A_180 = arith.constant 48 : i32
      %add3A_181 = arith.addi %mul3A_179, %add3A_180 : i32
      %get3A_182 = arith.index_cast %add3A_181 : i32 to index
      %get3A_183 = tpu.vector_load %arg11[%get3A_182] {strides = array<i32>} : memref<5120xi32, #tpu.memory_space<vmem>>, vector<16xi32>,
      tpu.vector_store_idx %arg14[%get3A_183], %broadcast_in_dim3A_1 {add = true} : memref<10112xf32, #tpu.memory_space<vmem>>[vector<16xi32>], vector<16xf32>,
      %dma_wait3A_184 = arith.constant 0 : i32
      %dma_wait3A_185 = arith.constant 0 : i32
      %dma_wait3A_186 = arith.constant 0 : i32
      %dma_wait3A_187 = tpu.memref_slice %arg5[%dma_wait3A_184, %dma_wait3A_185, %dma_wait3A_186] : memref<632x2x128xbf16, #tpu.memory_space<hbm>> -> memref<64x2x128xbf16, #tpu.memory_space<hbm>>
      %dma_wait3A_188 = arith.constant 0 : i32
      %dma_wait3A_189 = arith.constant 0 : i32
      %dma_wait3A_190 = arith.constant 0 : i32
      %dma_wait3A_191 = tpu.memref_slice %arg5[%dma_wait3A_188, %dma_wait3A_189, %dma_wait3A_190] : memref<632x2x128xbf16, #tpu.memory_space<hbm>> -> memref<64x2x128xbf16, #tpu.memory_space<hbm>>
      tpu.wait_dma2 semaphore(%arg18 : memref<!tpu.dma_semaphore, #tpu.memory_space<semaphore_mem>>) src(%dma_wait3A_191 : memref<64x2x128xbf16, #tpu.memory_space<hbm>>) dst(%arg13 : memref<64x2x128xbf16, #tpu.memory_space<vmem>>)
      %add3A_192 = arith.constant 1 : i32
      %add3A_193 = arith.addi %add3A_144, %add3A_192 : i32
      %mul3A_194 = arith.constant 64 : i32
      %mul3A_195 = arith.muli %add3A_193, %mul3A_194 : i32
      %dma_start3A_196 = tpu.memref_slice %arg10[%mul3A_195] : memref<5120xi32, #tpu.memory_space<vmem>> -> memref<64xi32, #tpu.memory_space<vmem>>
      %dma_start3A_197 = arith.constant 0 : i32
      %dma_start3A_198 = arith.constant 0 : i32
      %dma_start3A_199 = arith.constant 0 : i32
      %dma_start3A_200 = tpu.memref_slice %arg2[%dma_start3A_197, %dma_start3A_198, %dma_start3A_199] : memref<10240x2x128xbf16, #tpu.memory_space<hbm>> -> memref<10240x2x128xbf16, #tpu.memory_space<hbm>>
      tpu.enqueue_indirect_dma source(%dma_start3A_200 : memref<10240x2x128xbf16, #tpu.memory_space<hbm>>) target(%arg13 : memref<64x2x128xbf16, #tpu.memory_space<vmem>>) offsets(%dma_start3A_196 : memref<64xi32, #tpu.memory_space<vmem>>) semaphore(%arg16 : memref<!tpu.dma_semaphore, #tpu.memory_space<semaphore_mem>>)
    }
    %scan3A_37 = arith.constant 39 : i32
    %dma_wait3A_38 = arith.constant 0 : i32
    %dma_wait3A_39 = arith.constant 0 : i32
    %dma_wait3A_40 = arith.constant 0 : i32
    %dma_wait3A_41 = tpu.memref_slice %arg5[%dma_wait3A_38, %dma_wait3A_39, %dma_wait3A_40] : memref<632x2x128xbf16, #tpu.memory_space<hbm>> -> memref<64x2x128xbf16, #tpu.memory_space<hbm>>
    %dma_wait3A_42 = arith.constant 0 : i32
    %dma_wait3A_43 = arith.constant 0 : i32
    %dma_wait3A_44 = arith.constant 0 : i32
    %dma_wait3A_45 = tpu.memref_slice %arg5[%dma_wait3A_42, %dma_wait3A_43, %dma_wait3A_44] : memref<632x2x128xbf16, #tpu.memory_space<hbm>> -> memref<64x2x128xbf16, #tpu.memory_space<hbm>>
    tpu.wait_dma2 semaphore(%arg16 : memref<!tpu.dma_semaphore, #tpu.memory_space<semaphore_mem>>) src(%dma_wait3A_45 : memref<64x2x128xbf16, #tpu.memory_space<hbm>>) dst(%arg13 : memref<64x2x128xbf16, #tpu.memory_space<vmem>>)
    %dma_start3A_46 = arith.constant 5056 : i32
    %dma_start3A_47 = tpu.memref_slice %arg11[%dma_start3A_46] : memref<5120xi32, #tpu.memory_space<vmem>> -> memref<64xi32, #tpu.memory_space<vmem>>
    %dma_start3A_48 = arith.constant 0 : i32
    %dma_start3A_49 = arith.constant 0 : i32
    %dma_start3A_50 = arith.constant 0 : i32
    %dma_start3A_51 = tpu.memref_slice %arg9[%dma_start3A_48, %dma_start3A_49, %dma_start3A_50] : memref<10112x2x128xbf16, #tpu.memory_space<vmem_shared>> -> memref<10112x2x128xbf16, #tpu.memory_space<vmem_shared>>
    tpu.enqueue_indirect_dma source(%arg13 : memref<64x2x128xbf16, #tpu.memory_space<vmem>>) target(%dma_start3A_51 : memref<10112x2x128xbf16, #tpu.memory_space<vmem_shared>>) offsets(%dma_start3A_47 : memref<64xi32, #tpu.memory_space<vmem>>) semaphore(%arg18 : memref<!tpu.dma_semaphore, #tpu.memory_space<semaphore_mem>>) {add = true}
    %get3A_52 = arith.constant 5056 : index
    %get3A_53 = tpu.vector_load %arg11[%get3A_52] {strides = array<i32>} : memref<5120xi32, #tpu.memory_space<vmem>>, vector<16xi32>,
    tpu.vector_store_idx %arg14[%get3A_53], %broadcast_in_dim3A_1 {add = true} : memref<10112xf32, #tpu.memory_space<vmem>>[vector<16xi32>], vector<16xf32>,
    %get3A_54 = arith.constant 5072 : index
    %get3A_55 = tpu.vector_load %arg11[%get3A_54] {strides = array<i32>} : memref<5120xi32, #tpu.memory_space<vmem>>, vector<16xi32>,
    tpu.vector_store_idx %arg14[%get3A_55], %broadcast_in_dim3A_1 {add = true} : memref<10112xf32, #tpu.memory_space<vmem>>[vector<16xi32>], vector<16xf32>,
    %get3A_56 = arith.constant 5088 : index
    %get3A_57 = tpu.vector_load %arg11[%get3A_56] {strides = array<i32>} : memref<5120xi32, #tpu.memory_space<vmem>>, vector<16xi32>,
    tpu.vector_store_idx %arg14[%get3A_57], %broadcast_in_dim3A_1 {add = true} : memref<10112xf32, #tpu.memory_space<vmem>>[vector<16xi32>], vector<16xf32>,
    %get3A_58 = arith.constant 5104 : index
    %get3A_59 = tpu.vector_load %arg11[%get3A_58] {strides = array<i32>} : memref<5120xi32, #tpu.memory_space<vmem>>, vector<16xi32>,
    tpu.vector_store_idx %arg14[%get3A_59], %broadcast_in_dim3A_1 {add = true} : memref<10112xf32, #tpu.memory_space<vmem>>[vector<16xi32>], vector<16xf32>,
    %dma_wait3A_60 = arith.constant 0 : i32
    %dma_wait3A_61 = arith.constant 0 : i32
    %dma_wait3A_62 = arith.constant 0 : i32
    %dma_wait3A_63 = tpu.memref_slice %arg5[%dma_wait3A_60, %dma_wait3A_61, %dma_wait3A_62] : memref<632x2x128xbf16, #tpu.memory_space<hbm>> -> memref<64x2x128xbf16, #tpu.memory_space<hbm>>
    %dma_wait3A_64 = arith.constant 0 : i32
    %dma_wait3A_65 = arith.constant 0 : i32
    %dma_wait3A_66 = arith.constant 0 : i32
    %dma_wait3A_67 = tpu.memref_slice %arg5[%dma_wait3A_64, %dma_wait3A_65, %dma_wait3A_66] : memref<632x2x128xbf16, #tpu.memory_space<hbm>> -> memref<64x2x128xbf16, #tpu.memory_space<hbm>>
    tpu.wait_dma2 semaphore(%arg17 : memref<!tpu.dma_semaphore, #tpu.memory_space<semaphore_mem>>) src(%dma_wait3A_67 : memref<64x2x128xbf16, #tpu.memory_space<hbm>>) dst(%arg12 : memref<64x2x128xbf16, #tpu.memory_space<vmem>>)
    %dma_wait3A_68 = arith.constant 0 : i32
    %dma_wait3A_69 = arith.constant 0 : i32
    %dma_wait3A_70 = arith.constant 0 : i32
    %dma_wait3A_71 = tpu.memref_slice %arg5[%dma_wait3A_68, %dma_wait3A_69, %dma_wait3A_70] : memref<632x2x128xbf16, #tpu.memory_space<hbm>> -> memref<64x2x128xbf16, #tpu.memory_space<hbm>>
    %dma_wait3A_72 = arith.constant 0 : i32
    %dma_wait3A_73 = arith.constant 0 : i32
    %dma_wait3A_74 = arith.constant 0 : i32
    %dma_wait3A_75 = tpu.memref_slice %arg5[%dma_wait3A_72, %dma_wait3A_73, %dma_wait3A_74] : memref<632x2x128xbf16, #tpu.memory_space<hbm>> -> memref<64x2x128xbf16, #tpu.memory_space<hbm>>
    tpu.wait_dma2 semaphore(%arg18 : memref<!tpu.dma_semaphore, #tpu.memory_space<semaphore_mem>>) src(%dma_wait3A_75 : memref<64x2x128xbf16, #tpu.memory_space<hbm>>) dst(%arg13 : memref<64x2x128xbf16, #tpu.memory_space<vmem>>)
    %barrier3A_76 = arith.constant 0 : index
    tpu.barrier barrier_id(%barrier3A_76)
    %mul3A_77 = arith.constant 632 : i32
    %mul3A_78 = arith.muli %arg1, %mul3A_77 : i32
    %mul3A_79 = arith.constant 632 : i32
    %mul3A_80 = arith.muli %arg1, %mul3A_79 : i32
    "tpu.region"() ({
      %run_scoped3A = tpu.sem_alloc : memref<!tpu.dma_semaphore, #tpu.memory_space<semaphore_mem>>
      %dma_start3A_81 = arith.constant 0 : i32
      %dma_start3A_82 = arith.constant 0 : i32
      %dma_start3A_83 = arith.constant 0 : i32
      %dma_start3A_84 = tpu.memref_slice %arg7[%arg0, %dma_start3A_81, %dma_start3A_82, %dma_start3A_83] : memref<2x10112x2x128xbf16, #tpu.memory_space<hbm>> -> memref<1x10112x2x128xbf16, #tpu.memory_space<hbm>>
      %dma_start3A_85 = tpu.memref_squeeze %dma_start3A_84 : memref<1x10112x2x128xbf16, #tpu.memory_space<hbm>> -> memref<10112x2x128xbf16, #tpu.memory_space<hbm>>
      %dma_start3A_86 = arith.constant 0 : i32
      %dma_start3A_87 = arith.constant 0 : i32
      %dma_start3A_88 = tpu.memref_slice %dma_start3A_85[%mul3A_80, %dma_start3A_86, %dma_start3A_87] : memref<10112x2x128xbf16, #tpu.memory_space<hbm>> -> memref<632x2x128xbf16, #tpu.memory_space<hbm>>
      %dma_start3A_89 = arith.constant 0 : i32
      %dma_start3A_90 = arith.constant 0 : i32
      %dma_start3A_91 = tpu.memref_slice %arg9[%mul3A_78, %dma_start3A_89, %dma_start3A_90] : memref<10112x2x128xbf16, #tpu.memory_space<vmem_shared>> -> memref<632x2x128xbf16, #tpu.memory_space<vmem_shared>>
      tpu.enqueue_dma source(%dma_start3A_91 : memref<632x2x128xbf16, #tpu.memory_space<vmem_shared>>) target(%dma_start3A_88 : memref<632x2x128xbf16, #tpu.memory_space<hbm>>) target_semaphore(%run_scoped3A : memref<!tpu.dma_semaphore, #tpu.memory_space<semaphore_mem>>)
      %dma_wait3A_92 = arith.constant 0 : i32
      %dma_wait3A_93 = arith.constant 0 : i32
      %dma_wait3A_94 = arith.constant 0 : i32
      %dma_wait3A_95 = tpu.memref_slice %arg7[%arg0, %dma_wait3A_92, %dma_wait3A_93, %dma_wait3A_94] : memref<2x10112x2x128xbf16, #tpu.memory_space<hbm>> -> memref<1x10112x2x128xbf16, #tpu.memory_space<hbm>>
      %dma_wait3A_96 = tpu.memref_squeeze %dma_wait3A_95 : memref<1x10112x2x128xbf16, #tpu.memory_space<hbm>> -> memref<10112x2x128xbf16, #tpu.memory_space<hbm>>
      %dma_wait3A_97 = arith.constant 0 : i32
      %dma_wait3A_98 = arith.constant 0 : i32
      %dma_wait3A_99 = tpu.memref_slice %dma_wait3A_96[%mul3A_80, %dma_wait3A_97, %dma_wait3A_98] : memref<10112x2x128xbf16, #tpu.memory_space<hbm>> -> memref<632x2x128xbf16, #tpu.memory_space<hbm>>
      %dma_wait3A_100 = arith.constant 0 : i32
      %dma_wait3A_101 = arith.constant 0 : i32
      %dma_wait3A_102 = tpu.memref_slice %arg9[%mul3A_78, %dma_wait3A_100, %dma_wait3A_101] : memref<10112x2x128xbf16, #tpu.memory_space<vmem_shared>> -> memref<632x2x128xbf16, #tpu.memory_space<vmem_shared>>
      tpu.wait_dma2 semaphore(%run_scoped3A : memref<!tpu.dma_semaphore, #tpu.memory_space<semaphore_mem>>) src(%dma_wait3A_102 : memref<632x2x128xbf16, #tpu.memory_space<vmem_shared>>) dst(%dma_wait3A_99 : memref<632x2x128xbf16, #tpu.memory_space<hbm>>)
      tpu.yield
    }) : () -> ()
    "tpu.region"() ({
      %run_scoped3A = tpu.sem_alloc : memref<!tpu.dma_semaphore, #tpu.memory_space<semaphore_mem>>
      %dma_start3A_81 = arith.constant 0 : i32
      %dma_start3A_82 = arith.constant 0 : i32
      %dma_start3A_83 = tpu.memref_slice %arg8[%arg0, %dma_start3A_81, %dma_start3A_82] : memref<2x16x10112xf32, #tpu.memory_space<hbm>> -> memref<1x16x10112xf32, #tpu.memory_space<hbm>>
      %dma_start3A_84 = tpu.memref_squeeze %dma_start3A_83 : memref<1x16x10112xf32, #tpu.memory_space<hbm>> -> memref<16x10112xf32, #tpu.memory_space<hbm>>
      %dma_start3A_85 = arith.constant 0 : i32
      %dma_start3A_86 = tpu.memref_slice %dma_start3A_84[%arg1, %dma_start3A_85] : memref<16x10112xf32, #tpu.memory_space<hbm>> -> memref<1x10112xf32, #tpu.memory_space<hbm>>
      %dma_start3A_87 = tpu.memref_squeeze %dma_start3A_86 : memref<1x10112xf32, #tpu.memory_space<hbm>> -> memref<10112xf32, #tpu.memory_space<hbm>>
      %dma_start3A_88 = arith.constant 0 : i32
      %dma_start3A_89 = arith.constant 0 : i32
      %dma_start3A_90 = tpu.memref_slice %arg8[%arg0, %dma_start3A_88, %dma_start3A_89] : memref<2x16x10112xf32, #tpu.memory_space<hbm>> -> memref<1x16x10112xf32, #tpu.memory_space<hbm>>
      %dma_start3A_91 = tpu.memref_squeeze %dma_start3A_90 : memref<1x16x10112xf32, #tpu.memory_space<hbm>> -> memref<16x10112xf32, #tpu.memory_space<hbm>>
      %dma_start3A_92 = arith.constant 0 : i32
      %dma_start3A_93 = tpu.memref_slice %dma_start3A_91[%arg1, %dma_start3A_92] : memref<16x10112xf32, #tpu.memory_space<hbm>> -> memref<1x10112xf32, #tpu.memory_space<hbm>>
      %dma_start3A_94 = tpu.memref_squeeze %dma_start3A_93 : memref<1x10112xf32, #tpu.memory_space<hbm>> -> memref<10112xf32, #tpu.memory_space<hbm>>
      tpu.enqueue_dma source(%arg14 : memref<10112xf32, #tpu.memory_space<vmem>>) target(%dma_start3A_94 : memref<10112xf32, #tpu.memory_space<hbm>>) target_semaphore(%run_scoped3A : memref<!tpu.dma_semaphore, #tpu.memory_space<semaphore_mem>>)
      %dma_wait3A_95 = arith.constant 0 : i32
      %dma_wait3A_96 = arith.constant 0 : i32
      %dma_wait3A_97 = tpu.memref_slice %arg8[%arg0, %dma_wait3A_95, %dma_wait3A_96] : memref<2x16x10112xf32, #tpu.memory_space<hbm>> -> memref<1x16x10112xf32, #tpu.memory_space<hbm>>
      %dma_wait3A_98 = tpu.memref_squeeze %dma_wait3A_97 : memref<1x16x10112xf32, #tpu.memory_space<hbm>> -> memref<16x10112xf32, #tpu.memory_space<hbm>>
      %dma_wait3A_99 = arith.constant 0 : i32
      %dma_wait3A_100 = tpu.memref_slice %dma_wait3A_98[%arg1, %dma_wait3A_99] : memref<16x10112xf32, #tpu.memory_space<hbm>> -> memref<1x10112xf32, #tpu.memory_space<hbm>>
      %dma_wait3A_101 = tpu.memref_squeeze %dma_wait3A_100 : memref<1x10112xf32, #tpu.memory_space<hbm>> -> memref<10112xf32, #tpu.memory_space<hbm>>
      %dma_wait3A_102 = arith.constant 0 : i32
      %dma_wait3A_103 = arith.constant 0 : i32
      %dma_wait3A_104 = tpu.memref_slice %arg8[%arg0, %dma_wait3A_102, %dma_wait3A_103] : memref<2x16x10112xf32, #tpu.memory_space<hbm>> -> memref<1x16x10112xf32, #tpu.memory_space<hbm>>
      %dma_wait3A_105 = tpu.memref_squeeze %dma_wait3A_104 : memref<1x16x10112xf32, #tpu.memory_space<hbm>> -> memref<16x10112xf32, #tpu.memory_space<hbm>>
      %dma_wait3A_106 = arith.constant 0 : i32
      %dma_wait3A_107 = tpu.memref_slice %dma_wait3A_105[%arg1, %dma_wait3A_106] : memref<16x10112xf32, #tpu.memory_space<hbm>> -> memref<1x10112xf32, #tpu.memory_space<hbm>>
      %dma_wait3A_108 = tpu.memref_squeeze %dma_wait3A_107 : memref<1x10112xf32, #tpu.memory_space<hbm>> -> memref<10112xf32, #tpu.memory_space<hbm>>
      tpu.wait_dma2 semaphore(%run_scoped3A : memref<!tpu.dma_semaphore, #tpu.memory_space<semaphore_mem>>) src(%arg14 : memref<10112xf32, #tpu.memory_space<vmem>>) dst(%dma_wait3A_108 : memref<10112xf32, #tpu.memory_space<hbm>>)
      tpu.yield
    }) : () -> ()
    return
  }
}

#map = affine_map<(d0, d1) -> (0, 0, 0, 0)>
#map1 = affine_map<(d0, d1) -> (0, 0)>
#map2 = affine_map<(d0, d1) -> (0, 0, 0)>
module attributes {stable_mosaic.version = 14 : i64} {
  func.func @_sc_l2_body(%arg0: i32, %arg1: i32, %arg2: memref<2x10240x2x128xbf16, #tpu.memory_space<hbm>>, %arg3: memref<16x10240xi32, #tpu.memory_space<hbm>>, %arg4: memref<16x10240xi32, #tpu.memory_space<hbm>>, %arg5: memref<632x2x128xbf16, #tpu.memory_space<hbm>>, %arg6: memref<2x10112x2x128xbf16, #tpu.memory_space<hbm>>, %arg7: memref<10112x2x128xbf16, #tpu.memory_space<vmem_shared>>, %arg8: memref<10240xi32, #tpu.memory_space<vmem>>, %arg9: memref<10240xi32, #tpu.memory_space<vmem>>, %arg10: memref<64x2x128xbf16, #tpu.memory_space<vmem>>, %arg11: memref<64x2x128xbf16, #tpu.memory_space<vmem>>, %arg12: memref<!tpu.dma_semaphore, #tpu.memory_space<semaphore_mem>>, %arg13: memref<!tpu.dma_semaphore, #tpu.memory_space<semaphore_mem>>, %arg14: memref<!tpu.dma_semaphore, #tpu.memory_space<semaphore_mem>>, %arg15: memref<!tpu.dma_semaphore, #tpu.memory_space<semaphore_mem>>) attributes {dimension_semantics = [#tpu.dimension_semantics<core_parallel>, #tpu.dimension_semantics<subcore_parallel>], iteration_bounds = array<i64: 2, 16>, scalar_prefetch = 0 : i64, scratch_operands = 9 : i64, tpu.core_type = #tpu.core_type<sc_vector_subcore>, window_params = [{transform_indices = #map}, {transform_indices = #map1}, {transform_indices = #map1}, {transform_indices = #map2}, {transform_indices = #map}]} {
    "tpu.region"() ({
      %run_scoped3A = tpu.sem_alloc : memref<!tpu.dma_semaphore, #tpu.memory_space<semaphore_mem>>
      %dma_start3A_75 = arith.constant 0 : i32
      %dma_start3A_76 = tpu.memref_slice %arg3[%arg1, %dma_start3A_75] : memref<16x10240xi32, #tpu.memory_space<hbm>> -> memref<1x10240xi32, #tpu.memory_space<hbm>>
      %dma_start3A_77 = tpu.memref_squeeze %dma_start3A_76 : memref<1x10240xi32, #tpu.memory_space<hbm>> -> memref<10240xi32, #tpu.memory_space<hbm>>
      %dma_start3A_78 = arith.constant 0 : i32
      %dma_start3A_79 = tpu.memref_slice %arg3[%arg1, %dma_start3A_78] : memref<16x10240xi32, #tpu.memory_space<hbm>> -> memref<1x10240xi32, #tpu.memory_space<hbm>>
      %dma_start3A_80 = tpu.memref_squeeze %dma_start3A_79 : memref<1x10240xi32, #tpu.memory_space<hbm>> -> memref<10240xi32, #tpu.memory_space<hbm>>
      tpu.enqueue_dma source(%dma_start3A_80 : memref<10240xi32, #tpu.memory_space<hbm>>) target(%arg8 : memref<10240xi32, #tpu.memory_space<vmem>>) target_semaphore(%run_scoped3A : memref<!tpu.dma_semaphore, #tpu.memory_space<semaphore_mem>>)
      %dma_wait3A_81 = arith.constant 0 : i32
      %dma_wait3A_82 = tpu.memref_slice %arg3[%arg1, %dma_wait3A_81] : memref<16x10240xi32, #tpu.memory_space<hbm>> -> memref<1x10240xi32, #tpu.memory_space<hbm>>
      %dma_wait3A_83 = tpu.memref_squeeze %dma_wait3A_82 : memref<1x10240xi32, #tpu.memory_space<hbm>> -> memref<10240xi32, #tpu.memory_space<hbm>>
      %dma_wait3A_84 = arith.constant 0 : i32
      %dma_wait3A_85 = tpu.memref_slice %arg3[%arg1, %dma_wait3A_84] : memref<16x10240xi32, #tpu.memory_space<hbm>> -> memref<1x10240xi32, #tpu.memory_space<hbm>>
      %dma_wait3A_86 = tpu.memref_squeeze %dma_wait3A_85 : memref<1x10240xi32, #tpu.memory_space<hbm>> -> memref<10240xi32, #tpu.memory_space<hbm>>
      tpu.wait_dma2 semaphore(%run_scoped3A : memref<!tpu.dma_semaphore, #tpu.memory_space<semaphore_mem>>) src(%dma_wait3A_86 : memref<10240xi32, #tpu.memory_space<hbm>>) dst(%arg8 : memref<10240xi32, #tpu.memory_space<vmem>>)
      tpu.yield
    }) : () -> ()
    "tpu.region"() ({
      %run_scoped3A = tpu.sem_alloc : memref<!tpu.dma_semaphore, #tpu.memory_space<semaphore_mem>>
      %dma_start3A_75 = arith.constant 0 : i32
      %dma_start3A_76 = tpu.memref_slice %arg4[%arg1, %dma_start3A_75] : memref<16x10240xi32, #tpu.memory_space<hbm>> -> memref<1x10240xi32, #tpu.memory_space<hbm>>
      %dma_start3A_77 = tpu.memref_squeeze %dma_start3A_76 : memref<1x10240xi32, #tpu.memory_space<hbm>> -> memref<10240xi32, #tpu.memory_space<hbm>>
      %dma_start3A_78 = arith.constant 0 : i32
      %dma_start3A_79 = tpu.memref_slice %arg4[%arg1, %dma_start3A_78] : memref<16x10240xi32, #tpu.memory_space<hbm>> -> memref<1x10240xi32, #tpu.memory_space<hbm>>
      %dma_start3A_80 = tpu.memref_squeeze %dma_start3A_79 : memref<1x10240xi32, #tpu.memory_space<hbm>> -> memref<10240xi32, #tpu.memory_space<hbm>>
      tpu.enqueue_dma source(%dma_start3A_80 : memref<10240xi32, #tpu.memory_space<hbm>>) target(%arg9 : memref<10240xi32, #tpu.memory_space<vmem>>) target_semaphore(%run_scoped3A : memref<!tpu.dma_semaphore, #tpu.memory_space<semaphore_mem>>)
      %dma_wait3A_81 = arith.constant 0 : i32
      %dma_wait3A_82 = tpu.memref_slice %arg4[%arg1, %dma_wait3A_81] : memref<16x10240xi32, #tpu.memory_space<hbm>> -> memref<1x10240xi32, #tpu.memory_space<hbm>>
      %dma_wait3A_83 = tpu.memref_squeeze %dma_wait3A_82 : memref<1x10240xi32, #tpu.memory_space<hbm>> -> memref<10240xi32, #tpu.memory_space<hbm>>
      %dma_wait3A_84 = arith.constant 0 : i32
      %dma_wait3A_85 = tpu.memref_slice %arg4[%arg1, %dma_wait3A_84] : memref<16x10240xi32, #tpu.memory_space<hbm>> -> memref<1x10240xi32, #tpu.memory_space<hbm>>
      %dma_wait3A_86 = tpu.memref_squeeze %dma_wait3A_85 : memref<1x10240xi32, #tpu.memory_space<hbm>> -> memref<10240xi32, #tpu.memory_space<hbm>>
      tpu.wait_dma2 semaphore(%run_scoped3A : memref<!tpu.dma_semaphore, #tpu.memory_space<semaphore_mem>>) src(%dma_wait3A_86 : memref<10240xi32, #tpu.memory_space<hbm>>) dst(%arg9 : memref<10240xi32, #tpu.memory_space<vmem>>)
      tpu.yield
    }) : () -> ()
    %mul3A = arith.constant 632 : i32
    %mul3A_0 = arith.muli %arg1, %mul3A : i32
    "tpu.region"() ({
      %run_scoped3A = tpu.sem_alloc : memref<!tpu.dma_semaphore, #tpu.memory_space<semaphore_mem>>
      %dma_start3A_75 = arith.constant 0 : i32
      %dma_start3A_76 = arith.constant 0 : i32
      %dma_start3A_77 = tpu.memref_slice %arg7[%mul3A_0, %dma_start3A_75, %dma_start3A_76] : memref<10112x2x128xbf16, #tpu.memory_space<vmem_shared>> -> memref<632x2x128xbf16, #tpu.memory_space<vmem_shared>>
      tpu.enqueue_dma source(%arg5 : memref<632x2x128xbf16, #tpu.memory_space<hbm>>) target(%dma_start3A_77 : memref<632x2x128xbf16, #tpu.memory_space<vmem_shared>>) target_semaphore(%run_scoped3A : memref<!tpu.dma_semaphore, #tpu.memory_space<semaphore_mem>>)
      %dma_wait3A_78 = arith.constant 0 : i32
      %dma_wait3A_79 = arith.constant 0 : i32
      %dma_wait3A_80 = tpu.memref_slice %arg7[%mul3A_0, %dma_wait3A_78, %dma_wait3A_79] : memref<10112x2x128xbf16, #tpu.memory_space<vmem_shared>> -> memref<632x2x128xbf16, #tpu.memory_space<vmem_shared>>
      tpu.wait_dma2 semaphore(%run_scoped3A : memref<!tpu.dma_semaphore, #tpu.memory_space<semaphore_mem>>) src(%arg5 : memref<632x2x128xbf16, #tpu.memory_space<hbm>>) dst(%dma_wait3A_80 : memref<632x2x128xbf16, #tpu.memory_space<vmem_shared>>)
      tpu.yield
    }) : () -> ()
    %barrier3A = arith.constant 0 : index
    tpu.barrier barrier_id(%barrier3A)
    %dma_start3A = arith.constant 0 : i32
    %dma_start3A_1 = tpu.memref_slice %arg8[%dma_start3A] : memref<10240xi32, #tpu.memory_space<vmem>> -> memref<64xi32, #tpu.memory_space<vmem>>
    %dma_start3A_2 = arith.constant 0 : i32
    %dma_start3A_3 = arith.constant 0 : i32
    %dma_start3A_4 = arith.constant 0 : i32
    %dma_start3A_5 = tpu.memref_slice %arg2[%arg0, %dma_start3A_2, %dma_start3A_3, %dma_start3A_4] : memref<2x10240x2x128xbf16, #tpu.memory_space<hbm>> -> memref<1x10240x2x128xbf16, #tpu.memory_space<hbm>>
    %dma_start3A_6 = tpu.memref_squeeze %dma_start3A_5 : memref<1x10240x2x128xbf16, #tpu.memory_space<hbm>> -> memref<10240x2x128xbf16, #tpu.memory_space<hbm>>
    %dma_start3A_7 = arith.constant 0 : i32
    %dma_start3A_8 = arith.constant 0 : i32
    %dma_start3A_9 = arith.constant 0 : i32
    %dma_start3A_10 = tpu.memref_slice %dma_start3A_6[%dma_start3A_7, %dma_start3A_8, %dma_start3A_9] : memref<10240x2x128xbf16, #tpu.memory_space<hbm>> -> memref<10240x2x128xbf16, #tpu.memory_space<hbm>>
    tpu.enqueue_indirect_dma source(%dma_start3A_10 : memref<10240x2x128xbf16, #tpu.memory_space<hbm>>) target(%arg10 : memref<64x2x128xbf16, #tpu.memory_space<vmem>>) offsets(%dma_start3A_1 : memref<64xi32, #tpu.memory_space<vmem>>) semaphore(%arg12 : memref<!tpu.dma_semaphore, #tpu.memory_space<semaphore_mem>>)
    %dma_wait3A = arith.constant 0 : i32
    %dma_wait3A_11 = arith.constant 0 : i32
    %dma_wait3A_12 = arith.constant 0 : i32
    %dma_wait3A_13 = tpu.memref_slice %arg5[%dma_wait3A, %dma_wait3A_11, %dma_wait3A_12] : memref<632x2x128xbf16, #tpu.memory_space<hbm>> -> memref<64x2x128xbf16, #tpu.memory_space<hbm>>
    %dma_wait3A_14 = arith.constant 0 : i32
    %dma_wait3A_15 = arith.constant 0 : i32
    %dma_wait3A_16 = arith.constant 0 : i32
    %dma_wait3A_17 = tpu.memref_slice %arg5[%dma_wait3A_14, %dma_wait3A_15, %dma_wait3A_16] : memref<632x2x128xbf16, #tpu.memory_space<hbm>> -> memref<64x2x128xbf16, #tpu.memory_space<hbm>>
    tpu.wait_dma2 semaphore(%arg12 : memref<!tpu.dma_semaphore, #tpu.memory_space<semaphore_mem>>) src(%dma_wait3A_17 : memref<64x2x128xbf16, #tpu.memory_space<hbm>>) dst(%arg10 : memref<64x2x128xbf16, #tpu.memory_space<vmem>>)
    %dma_start3A_18 = arith.constant 0 : i32
    %dma_start3A_19 = tpu.memref_slice %arg9[%dma_start3A_18] : memref<10240xi32, #tpu.memory_space<vmem>> -> memref<64xi32, #tpu.memory_space<vmem>>
    %dma_start3A_20 = arith.constant 0 : i32
    %dma_start3A_21 = arith.constant 0 : i32
    %dma_start3A_22 = arith.constant 0 : i32
    %dma_start3A_23 = tpu.memref_slice %arg7[%dma_start3A_20, %dma_start3A_21, %dma_start3A_22] : memref<10112x2x128xbf16, #tpu.memory_space<vmem_shared>> -> memref<10112x2x128xbf16, #tpu.memory_space<vmem_shared>>
    tpu.enqueue_indirect_dma source(%arg10 : memref<64x2x128xbf16, #tpu.memory_space<vmem>>) target(%dma_start3A_23 : memref<10112x2x128xbf16, #tpu.memory_space<vmem_shared>>) offsets(%dma_start3A_19 : memref<64xi32, #tpu.memory_space<vmem>>) semaphore(%arg14 : memref<!tpu.dma_semaphore, #tpu.memory_space<semaphore_mem>>) {add = true}
    %dma_start3A_24 = arith.constant 64 : i32
    %dma_start3A_25 = tpu.memref_slice %arg8[%dma_start3A_24] : memref<10240xi32, #tpu.memory_space<vmem>> -> memref<64xi32, #tpu.memory_space<vmem>>
    %dma_start3A_26 = arith.constant 0 : i32
    %dma_start3A_27 = arith.constant 0 : i32
    %dma_start3A_28 = arith.constant 0 : i32
    %dma_start3A_29 = tpu.memref_slice %arg2[%arg0, %dma_start3A_26, %dma_start3A_27, %dma_start3A_28] : memref<2x10240x2x128xbf16, #tpu.memory_space<hbm>> -> memref<1x10240x2x128xbf16, #tpu.memory_space<hbm>>
    %dma_start3A_30 = tpu.memref_squeeze %dma_start3A_29 : memref<1x10240x2x128xbf16, #tpu.memory_space<hbm>> -> memref<10240x2x128xbf16, #tpu.memory_space<hbm>>
    %dma_start3A_31 = arith.constant 0 : i32
    %dma_start3A_32 = arith.constant 0 : i32
    %dma_start3A_33 = arith.constant 0 : i32
    %dma_start3A_34 = tpu.memref_slice %dma_start3A_30[%dma_start3A_31, %dma_start3A_32, %dma_start3A_33] : memref<10240x2x128xbf16, #tpu.memory_space<hbm>> -> memref<10240x2x128xbf16, #tpu.memory_space<hbm>>
    tpu.enqueue_indirect_dma source(%dma_start3A_34 : memref<10240x2x128xbf16, #tpu.memory_space<hbm>>) target(%arg11 : memref<64x2x128xbf16, #tpu.memory_space<vmem>>) offsets(%dma_start3A_25 : memref<64xi32, #tpu.memory_space<vmem>>) semaphore(%arg13 : memref<!tpu.dma_semaphore, #tpu.memory_space<semaphore_mem>>)
    %scan3A = arith.constant 0 : i32
    %scan3A_35 = arith.constant 0 : i32
    %scan3A_36 = arith.constant 79 : i32
    %scan3A_37 = arith.addi %scan3A_35, %scan3A_36 : i32
    %scan3A_38 = arith.constant 1 : i32
    scf.for %scan3A_75 = %scan3A_35 to %scan3A_37 step %scan3A_38  : i32 {
      %mul3A_76 = arith.constant 2 : i32
      %mul3A_77 = arith.muli %mul3A_76, %scan3A_75 : i32
      %add3A = arith.constant 1 : i32
      %add3A_78 = arith.addi %mul3A_77, %add3A : i32
      %dma_wait3A_79 = arith.constant 0 : i32
      %dma_wait3A_80 = arith.constant 0 : i32
      %dma_wait3A_81 = arith.constant 0 : i32
      %dma_wait3A_82 = tpu.memref_slice %arg5[%dma_wait3A_79, %dma_wait3A_80, %dma_wait3A_81] : memref<632x2x128xbf16, #tpu.memory_space<hbm>> -> memref<64x2x128xbf16, #tpu.memory_space<hbm>>
      %dma_wait3A_83 = arith.constant 0 : i32
      %dma_wait3A_84 = arith.constant 0 : i32
      %dma_wait3A_85 = arith.constant 0 : i32
      %dma_wait3A_86 = tpu.memref_slice %arg5[%dma_wait3A_83, %dma_wait3A_84, %dma_wait3A_85] : memref<632x2x128xbf16, #tpu.memory_space<hbm>> -> memref<64x2x128xbf16, #tpu.memory_space<hbm>>
      tpu.wait_dma2 semaphore(%arg13 : memref<!tpu.dma_semaphore, #tpu.memory_space<semaphore_mem>>) src(%dma_wait3A_86 : memref<64x2x128xbf16, #tpu.memory_space<hbm>>) dst(%arg11 : memref<64x2x128xbf16, #tpu.memory_space<vmem>>)
      %mul3A_87 = arith.constant 64 : i32
      %mul3A_88 = arith.muli %add3A_78, %mul3A_87 : i32
      %dma_start3A_89 = tpu.memref_slice %arg9[%mul3A_88] : memref<10240xi32, #tpu.memory_space<vmem>> -> memref<64xi32, #tpu.memory_space<vmem>>
      %dma_start3A_90 = arith.constant 0 : i32
      %dma_start3A_91 = arith.constant 0 : i32
      %dma_start3A_92 = arith.constant 0 : i32
      %dma_start3A_93 = tpu.memref_slice %arg7[%dma_start3A_90, %dma_start3A_91, %dma_start3A_92] : memref<10112x2x128xbf16, #tpu.memory_space<vmem_shared>> -> memref<10112x2x128xbf16, #tpu.memory_space<vmem_shared>>
      tpu.enqueue_indirect_dma source(%arg11 : memref<64x2x128xbf16, #tpu.memory_space<vmem>>) target(%dma_start3A_93 : memref<10112x2x128xbf16, #tpu.memory_space<vmem_shared>>) offsets(%dma_start3A_89 : memref<64xi32, #tpu.memory_space<vmem>>) semaphore(%arg15 : memref<!tpu.dma_semaphore, #tpu.memory_space<semaphore_mem>>) {add = true}
      %dma_wait3A_94 = arith.constant 0 : i32
      %dma_wait3A_95 = arith.constant 0 : i32
      %dma_wait3A_96 = arith.constant 0 : i32
      %dma_wait3A_97 = tpu.memref_slice %arg5[%dma_wait3A_94, %dma_wait3A_95, %dma_wait3A_96] : memref<632x2x128xbf16, #tpu.memory_space<hbm>> -> memref<64x2x128xbf16, #tpu.memory_space<hbm>>
      %dma_wait3A_98 = arith.constant 0 : i32
      %dma_wait3A_99 = arith.constant 0 : i32
      %dma_wait3A_100 = arith.constant 0 : i32
      %dma_wait3A_101 = tpu.memref_slice %arg5[%dma_wait3A_98, %dma_wait3A_99, %dma_wait3A_100] : memref<632x2x128xbf16, #tpu.memory_space<hbm>> -> memref<64x2x128xbf16, #tpu.memory_space<hbm>>
      tpu.wait_dma2 semaphore(%arg14 : memref<!tpu.dma_semaphore, #tpu.memory_space<semaphore_mem>>) src(%dma_wait3A_101 : memref<64x2x128xbf16, #tpu.memory_space<hbm>>) dst(%arg10 : memref<64x2x128xbf16, #tpu.memory_space<vmem>>)
      %add3A_102 = arith.constant 1 : i32
      %add3A_103 = arith.addi %add3A_78, %add3A_102 : i32
      %mul3A_104 = arith.constant 64 : i32
      %mul3A_105 = arith.muli %add3A_103, %mul3A_104 : i32
      %dma_start3A_106 = tpu.memref_slice %arg8[%mul3A_105] : memref<10240xi32, #tpu.memory_space<vmem>> -> memref<64xi32, #tpu.memory_space<vmem>>
      %dma_start3A_107 = arith.constant 0 : i32
      %dma_start3A_108 = arith.constant 0 : i32
      %dma_start3A_109 = arith.constant 0 : i32
      %dma_start3A_110 = tpu.memref_slice %arg2[%arg0, %dma_start3A_107, %dma_start3A_108, %dma_start3A_109] : memref<2x10240x2x128xbf16, #tpu.memory_space<hbm>> -> memref<1x10240x2x128xbf16, #tpu.memory_space<hbm>>
      %dma_start3A_111 = tpu.memref_squeeze %dma_start3A_110 : memref<1x10240x2x128xbf16, #tpu.memory_space<hbm>> -> memref<10240x2x128xbf16, #tpu.memory_space<hbm>>
      %dma_start3A_112 = arith.constant 0 : i32
      %dma_start3A_113 = arith.constant 0 : i32
      %dma_start3A_114 = arith.constant 0 : i32
      %dma_start3A_115 = tpu.memref_slice %dma_start3A_111[%dma_start3A_112, %dma_start3A_113, %dma_start3A_114] : memref<10240x2x128xbf16, #tpu.memory_space<hbm>> -> memref<10240x2x128xbf16, #tpu.memory_space<hbm>>
      tpu.enqueue_indirect_dma source(%dma_start3A_115 : memref<10240x2x128xbf16, #tpu.memory_space<hbm>>) target(%arg10 : memref<64x2x128xbf16, #tpu.memory_space<vmem>>) offsets(%dma_start3A_106 : memref<64xi32, #tpu.memory_space<vmem>>) semaphore(%arg12 : memref<!tpu.dma_semaphore, #tpu.memory_space<semaphore_mem>>)
      %mul3A_116 = arith.constant 2 : i32
      %mul3A_117 = arith.muli %mul3A_116, %scan3A_75 : i32
      %add3A_118 = arith.constant 2 : i32
      %add3A_119 = arith.addi %mul3A_117, %add3A_118 : i32
      %dma_wait3A_120 = arith.constant 0 : i32
      %dma_wait3A_121 = arith.constant 0 : i32
      %dma_wait3A_122 = arith.constant 0 : i32
      %dma_wait3A_123 = tpu.memref_slice %arg5[%dma_wait3A_120, %dma_wait3A_121, %dma_wait3A_122] : memref<632x2x128xbf16, #tpu.memory_space<hbm>> -> memref<64x2x128xbf16, #tpu.memory_space<hbm>>
      %dma_wait3A_124 = arith.constant 0 : i32
      %dma_wait3A_125 = arith.constant 0 : i32
      %dma_wait3A_126 = arith.constant 0 : i32
      %dma_wait3A_127 = tpu.memref_slice %arg5[%dma_wait3A_124, %dma_wait3A_125, %dma_wait3A_126] : memref<632x2x128xbf16, #tpu.memory_space<hbm>> -> memref<64x2x128xbf16, #tpu.memory_space<hbm>>
      tpu.wait_dma2 semaphore(%arg12 : memref<!tpu.dma_semaphore, #tpu.memory_space<semaphore_mem>>) src(%dma_wait3A_127 : memref<64x2x128xbf16, #tpu.memory_space<hbm>>) dst(%arg10 : memref<64x2x128xbf16, #tpu.memory_space<vmem>>)
      %mul3A_128 = arith.constant 64 : i32
      %mul3A_129 = arith.muli %add3A_119, %mul3A_128 : i32
      %dma_start3A_130 = tpu.memref_slice %arg9[%mul3A_129] : memref<10240xi32, #tpu.memory_space<vmem>> -> memref<64xi32, #tpu.memory_space<vmem>>
      %dma_start3A_131 = arith.constant 0 : i32
      %dma_start3A_132 = arith.constant 0 : i32
      %dma_start3A_133 = arith.constant 0 : i32
      %dma_start3A_134 = tpu.memref_slice %arg7[%dma_start3A_131, %dma_start3A_132, %dma_start3A_133] : memref<10112x2x128xbf16, #tpu.memory_space<vmem_shared>> -> memref<10112x2x128xbf16, #tpu.memory_space<vmem_shared>>
      tpu.enqueue_indirect_dma source(%arg10 : memref<64x2x128xbf16, #tpu.memory_space<vmem>>) target(%dma_start3A_134 : memref<10112x2x128xbf16, #tpu.memory_space<vmem_shared>>) offsets(%dma_start3A_130 : memref<64xi32, #tpu.memory_space<vmem>>) semaphore(%arg14 : memref<!tpu.dma_semaphore, #tpu.memory_space<semaphore_mem>>) {add = true}
      %dma_wait3A_135 = arith.constant 0 : i32
      %dma_wait3A_136 = arith.constant 0 : i32
      %dma_wait3A_137 = arith.constant 0 : i32
      %dma_wait3A_138 = tpu.memref_slice %arg5[%dma_wait3A_135, %dma_wait3A_136, %dma_wait3A_137] : memref<632x2x128xbf16, #tpu.memory_space<hbm>> -> memref<64x2x128xbf16, #tpu.memory_space<hbm>>
      %dma_wait3A_139 = arith.constant 0 : i32
      %dma_wait3A_140 = arith.constant 0 : i32
      %dma_wait3A_141 = arith.constant 0 : i32
      %dma_wait3A_142 = tpu.memref_slice %arg5[%dma_wait3A_139, %dma_wait3A_140, %dma_wait3A_141] : memref<632x2x128xbf16, #tpu.memory_space<hbm>> -> memref<64x2x128xbf16, #tpu.memory_space<hbm>>
      tpu.wait_dma2 semaphore(%arg15 : memref<!tpu.dma_semaphore, #tpu.memory_space<semaphore_mem>>) src(%dma_wait3A_142 : memref<64x2x128xbf16, #tpu.memory_space<hbm>>) dst(%arg11 : memref<64x2x128xbf16, #tpu.memory_space<vmem>>)
      %add3A_143 = arith.constant 1 : i32
      %add3A_144 = arith.addi %add3A_119, %add3A_143 : i32
      %mul3A_145 = arith.constant 64 : i32
      %mul3A_146 = arith.muli %add3A_144, %mul3A_145 : i32
      %dma_start3A_147 = tpu.memref_slice %arg8[%mul3A_146] : memref<10240xi32, #tpu.memory_space<vmem>> -> memref<64xi32, #tpu.memory_space<vmem>>
      %dma_start3A_148 = arith.constant 0 : i32
      %dma_start3A_149 = arith.constant 0 : i32
      %dma_start3A_150 = arith.constant 0 : i32
      %dma_start3A_151 = tpu.memref_slice %arg2[%arg0, %dma_start3A_148, %dma_start3A_149, %dma_start3A_150] : memref<2x10240x2x128xbf16, #tpu.memory_space<hbm>> -> memref<1x10240x2x128xbf16, #tpu.memory_space<hbm>>
      %dma_start3A_152 = tpu.memref_squeeze %dma_start3A_151 : memref<1x10240x2x128xbf16, #tpu.memory_space<hbm>> -> memref<10240x2x128xbf16, #tpu.memory_space<hbm>>
      %dma_start3A_153 = arith.constant 0 : i32
      %dma_start3A_154 = arith.constant 0 : i32
      %dma_start3A_155 = arith.constant 0 : i32
      %dma_start3A_156 = tpu.memref_slice %dma_start3A_152[%dma_start3A_153, %dma_start3A_154, %dma_start3A_155] : memref<10240x2x128xbf16, #tpu.memory_space<hbm>> -> memref<10240x2x128xbf16, #tpu.memory_space<hbm>>
      tpu.enqueue_indirect_dma source(%dma_start3A_156 : memref<10240x2x128xbf16, #tpu.memory_space<hbm>>) target(%arg11 : memref<64x2x128xbf16, #tpu.memory_space<vmem>>) offsets(%dma_start3A_147 : memref<64xi32, #tpu.memory_space<vmem>>) semaphore(%arg13 : memref<!tpu.dma_semaphore, #tpu.memory_space<semaphore_mem>>)
    }
    %scan3A_39 = arith.constant 79 : i32
    %dma_wait3A_40 = arith.constant 0 : i32
    %dma_wait3A_41 = arith.constant 0 : i32
    %dma_wait3A_42 = arith.constant 0 : i32
    %dma_wait3A_43 = tpu.memref_slice %arg5[%dma_wait3A_40, %dma_wait3A_41, %dma_wait3A_42] : memref<632x2x128xbf16, #tpu.memory_space<hbm>> -> memref<64x2x128xbf16, #tpu.memory_space<hbm>>
    %dma_wait3A_44 = arith.constant 0 : i32
    %dma_wait3A_45 = arith.constant 0 : i32
    %dma_wait3A_46 = arith.constant 0 : i32
    %dma_wait3A_47 = tpu.memref_slice %arg5[%dma_wait3A_44, %dma_wait3A_45, %dma_wait3A_46] : memref<632x2x128xbf16, #tpu.memory_space<hbm>> -> memref<64x2x128xbf16, #tpu.memory_space<hbm>>
    tpu.wait_dma2 semaphore(%arg13 : memref<!tpu.dma_semaphore, #tpu.memory_space<semaphore_mem>>) src(%dma_wait3A_47 : memref<64x2x128xbf16, #tpu.memory_space<hbm>>) dst(%arg11 : memref<64x2x128xbf16, #tpu.memory_space<vmem>>)
    %dma_start3A_48 = arith.constant 10176 : i32
    %dma_start3A_49 = tpu.memref_slice %arg9[%dma_start3A_48] : memref<10240xi32, #tpu.memory_space<vmem>> -> memref<64xi32, #tpu.memory_space<vmem>>
    %dma_start3A_50 = arith.constant 0 : i32
    %dma_start3A_51 = arith.constant 0 : i32
    %dma_start3A_52 = arith.constant 0 : i32
    %dma_start3A_53 = tpu.memref_slice %arg7[%dma_start3A_50, %dma_start3A_51, %dma_start3A_52] : memref<10112x2x128xbf16, #tpu.memory_space<vmem_shared>> -> memref<10112x2x128xbf16, #tpu.memory_space<vmem_shared>>
    tpu.enqueue_indirect_dma source(%arg11 : memref<64x2x128xbf16, #tpu.memory_space<vmem>>) target(%dma_start3A_53 : memref<10112x2x128xbf16, #tpu.memory_space<vmem_shared>>) offsets(%dma_start3A_49 : memref<64xi32, #tpu.memory_space<vmem>>) semaphore(%arg15 : memref<!tpu.dma_semaphore, #tpu.memory_space<semaphore_mem>>) {add = true}
    %dma_wait3A_54 = arith.constant 0 : i32
    %dma_wait3A_55 = arith.constant 0 : i32
    %dma_wait3A_56 = arith.constant 0 : i32
    %dma_wait3A_57 = tpu.memref_slice %arg5[%dma_wait3A_54, %dma_wait3A_55, %dma_wait3A_56] : memref<632x2x128xbf16, #tpu.memory_space<hbm>> -> memref<64x2x128xbf16, #tpu.memory_space<hbm>>
    %dma_wait3A_58 = arith.constant 0 : i32
    %dma_wait3A_59 = arith.constant 0 : i32
    %dma_wait3A_60 = arith.constant 0 : i32
    %dma_wait3A_61 = tpu.memref_slice %arg5[%dma_wait3A_58, %dma_wait3A_59, %dma_wait3A_60] : memref<632x2x128xbf16, #tpu.memory_space<hbm>> -> memref<64x2x128xbf16, #tpu.memory_space<hbm>>
    tpu.wait_dma2 semaphore(%arg14 : memref<!tpu.dma_semaphore, #tpu.memory_space<semaphore_mem>>) src(%dma_wait3A_61 : memref<64x2x128xbf16, #tpu.memory_space<hbm>>) dst(%arg10 : memref<64x2x128xbf16, #tpu.memory_space<vmem>>)
    %dma_wait3A_62 = arith.constant 0 : i32
    %dma_wait3A_63 = arith.constant 0 : i32
    %dma_wait3A_64 = arith.constant 0 : i32
    %dma_wait3A_65 = tpu.memref_slice %arg5[%dma_wait3A_62, %dma_wait3A_63, %dma_wait3A_64] : memref<632x2x128xbf16, #tpu.memory_space<hbm>> -> memref<64x2x128xbf16, #tpu.memory_space<hbm>>
    %dma_wait3A_66 = arith.constant 0 : i32
    %dma_wait3A_67 = arith.constant 0 : i32
    %dma_wait3A_68 = arith.constant 0 : i32
    %dma_wait3A_69 = tpu.memref_slice %arg5[%dma_wait3A_66, %dma_wait3A_67, %dma_wait3A_68] : memref<632x2x128xbf16, #tpu.memory_space<hbm>> -> memref<64x2x128xbf16, #tpu.memory_space<hbm>>
    tpu.wait_dma2 semaphore(%arg15 : memref<!tpu.dma_semaphore, #tpu.memory_space<semaphore_mem>>) src(%dma_wait3A_69 : memref<64x2x128xbf16, #tpu.memory_space<hbm>>) dst(%arg11 : memref<64x2x128xbf16, #tpu.memory_space<vmem>>)
    %barrier3A_70 = arith.constant 0 : index
    tpu.barrier barrier_id(%barrier3A_70)
    %mul3A_71 = arith.constant 632 : i32
    %mul3A_72 = arith.muli %arg1, %mul3A_71 : i32
    %mul3A_73 = arith.constant 632 : i32
    %mul3A_74 = arith.muli %arg1, %mul3A_73 : i32
    "tpu.region"() ({
      %run_scoped3A = tpu.sem_alloc : memref<!tpu.dma_semaphore, #tpu.memory_space<semaphore_mem>>
      %dma_start3A_75 = arith.constant 0 : i32
      %dma_start3A_76 = arith.constant 0 : i32
      %dma_start3A_77 = arith.constant 0 : i32
      %dma_start3A_78 = tpu.memref_slice %arg6[%arg0, %dma_start3A_75, %dma_start3A_76, %dma_start3A_77] : memref<2x10112x2x128xbf16, #tpu.memory_space<hbm>> -> memref<1x10112x2x128xbf16, #tpu.memory_space<hbm>>
      %dma_start3A_79 = tpu.memref_squeeze %dma_start3A_78 : memref<1x10112x2x128xbf16, #tpu.memory_space<hbm>> -> memref<10112x2x128xbf16, #tpu.memory_space<hbm>>
      %dma_start3A_80 = arith.constant 0 : i32
      %dma_start3A_81 = arith.constant 0 : i32
      %dma_start3A_82 = tpu.memref_slice %dma_start3A_79[%mul3A_74, %dma_start3A_80, %dma_start3A_81] : memref<10112x2x128xbf16, #tpu.memory_space<hbm>> -> memref<632x2x128xbf16, #tpu.memory_space<hbm>>
      %dma_start3A_83 = arith.constant 0 : i32
      %dma_start3A_84 = arith.constant 0 : i32
      %dma_start3A_85 = tpu.memref_slice %arg7[%mul3A_72, %dma_start3A_83, %dma_start3A_84] : memref<10112x2x128xbf16, #tpu.memory_space<vmem_shared>> -> memref<632x2x128xbf16, #tpu.memory_space<vmem_shared>>
      tpu.enqueue_dma source(%dma_start3A_85 : memref<632x2x128xbf16, #tpu.memory_space<vmem_shared>>) target(%dma_start3A_82 : memref<632x2x128xbf16, #tpu.memory_space<hbm>>) target_semaphore(%run_scoped3A : memref<!tpu.dma_semaphore, #tpu.memory_space<semaphore_mem>>)
      %dma_wait3A_86 = arith.constant 0 : i32
      %dma_wait3A_87 = arith.constant 0 : i32
      %dma_wait3A_88 = arith.constant 0 : i32
      %dma_wait3A_89 = tpu.memref_slice %arg6[%arg0, %dma_wait3A_86, %dma_wait3A_87, %dma_wait3A_88] : memref<2x10112x2x128xbf16, #tpu.memory_space<hbm>> -> memref<1x10112x2x128xbf16, #tpu.memory_space<hbm>>
      %dma_wait3A_90 = tpu.memref_squeeze %dma_wait3A_89 : memref<1x10112x2x128xbf16, #tpu.memory_space<hbm>> -> memref<10112x2x128xbf16, #tpu.memory_space<hbm>>
      %dma_wait3A_91 = arith.constant 0 : i32
      %dma_wait3A_92 = arith.constant 0 : i32
      %dma_wait3A_93 = tpu.memref_slice %dma_wait3A_90[%mul3A_74, %dma_wait3A_91, %dma_wait3A_92] : memref<10112x2x128xbf16, #tpu.memory_space<hbm>> -> memref<632x2x128xbf16, #tpu.memory_space<hbm>>
      %dma_wait3A_94 = arith.constant 0 : i32
      %dma_wait3A_95 = arith.constant 0 : i32
      %dma_wait3A_96 = tpu.memref_slice %arg7[%mul3A_72, %dma_wait3A_94, %dma_wait3A_95] : memref<10112x2x128xbf16, #tpu.memory_space<vmem_shared>> -> memref<632x2x128xbf16, #tpu.memory_space<vmem_shared>>
      tpu.wait_dma2 semaphore(%run_scoped3A : memref<!tpu.dma_semaphore, #tpu.memory_space<semaphore_mem>>) src(%dma_wait3A_96 : memref<632x2x128xbf16, #tpu.memory_space<vmem_shared>>) dst(%dma_wait3A_93 : memref<632x2x128xbf16, #tpu.memory_space<hbm>>)
      tpu.yield
    }) : () -> ()
    return
  }
}

module attributes {stable_mosaic.version = 14 : i64} {
  func.func @body(%arg0: i32, %arg1: memref<1000x2x128xbf16, #tpu.memory_space<vmem>>, %arg2: memref<256x512xbf16, #tpu.memory_space<vmem>>, %arg3: memref<1x512xf32, #tpu.memory_space<vmem>>, %arg4: memref<1000x512xf32, #tpu.memory_space<vmem>>) attributes {dimension_semantics = [#tpu.dimension_semantics<arbitrary>], iteration_bounds = array<i64: 10>, scalar_prefetch = 0 : i64, scratch_operands = 0 : i64, tpu.core_type = #tpu.core_type<tc>, window_params = [{transform_indices = @transform_0, window_bounds = array<i64: 1000, 2, 128>}, {pipeline_mode = #tpu.pipeline_mode<synchronous>, transform_indices = @transform_1, window_bounds = array<i64: 256, 512>}, {pipeline_mode = #tpu.pipeline_mode<synchronous>, transform_indices = @transform_2, window_bounds = array<i64: 1, 512>}, {transform_indices = @transform_3, window_bounds = array<i64: 1000, 512>}]} {
    %get3A = arith.constant 0 : index
    %get3A_0 = arith.constant 0 : index
    %get3A_1 = arith.constant 0 : index
    %get3A_2 = vector.load %arg1[%get3A, %get3A_0, %get3A_1] : memref<1000x2x128xbf16, #tpu.memory_space<vmem>>, vector<1000x1x128xbf16>
    %get3A_3 = vector.shape_cast %get3A_2 : vector<1000x1x128xbf16> to vector<1000x128xbf16>
    %get3A_4 = arith.constant 0 : index
    %get3A_5 = arith.constant 1 : index
    %get3A_6 = arith.constant 0 : index
    %get3A_7 = vector.load %arg1[%get3A_4, %get3A_5, %get3A_6] : memref<1000x2x128xbf16, #tpu.memory_space<vmem>>, vector<1000x1x128xbf16>
    %get3A_8 = vector.shape_cast %get3A_7 : vector<1000x1x128xbf16> to vector<1000x128xbf16>
    %concatenate3A = tpu.concatenate %get3A_3, %get3A_8 in 1 : vector<1000x128xbf16>, vector<1000x128xbf16> -> vector<1000x256xbf16>
    %get3A_9 = arith.constant 0 : index
    %get3A_10 = arith.constant 0 : index
    %get3A_11 = vector.load %arg2[%get3A_9, %get3A_10] : memref<256x512xbf16, #tpu.memory_space<vmem>>, vector<256x512xbf16>
    %dot_general3A = arith.constant dense<0.000000e+00> : vector<1000x512xf32>
    %dot_general3A_12 = tpu.matmul %concatenate3A, %get3A_11, %dot_general3A {dimension_numbers = #tpu.dot_dimension_numbers<[1], [0], [0], [1], [0, 0, 1, 1], [], []>, transpose_lhs_hint = false} : vector<1000x256xbf16>, vector<256x512xbf16>, vector<1000x512xf32> -> vector<1000x512xf32>
    %get3A_13 = arith.constant 0 : index
    %get3A_14 = arith.constant 0 : index
    %get3A_15 = vector.load %arg3[%get3A_13, %get3A_14] : memref<1x512xf32, #tpu.memory_space<vmem>>, vector<1x512xf32>
    %add3A = vector.broadcast %get3A_15 : vector<1x512xf32> to vector<1000x512xf32>
    %add3A_16 = arith.addf %dot_general3A_12, %add3A : vector<1000x512xf32>
    %swap3A = arith.constant 0 : index
    %swap3A_17 = arith.constant 0 : index
    %swap3A_18 = vector.load %arg4[%swap3A, %swap3A_17] : memref<1000x512xf32, #tpu.memory_space<vmem>>, vector<1000x512xf32>
    tpu.vector_store %arg4[%swap3A, %swap3A_17], %add3A_16 {strides = array<i32>} : memref<1000x512xf32, #tpu.memory_space<vmem>>, vector<1000x512xf32>,
    return
  }
  func.func @transform_0(%arg0: i32) -> (i32, i32, i32) {
    %c0_i32 = arith.constant 0 : i32
    %c0_i32_0 = arith.constant 0 : i32
    %c0_i32_1 = arith.constant 0 : i32
    return %arg0, %c0_i32, %c0_i32_0 : i32, i32, i32
  }
  func.func @transform_1(%arg0: i32) -> (i32, i32) {
    %c0_i32 = arith.constant 0 : i32
    %c0_i32_0 = arith.constant 0 : i32
    %c0_i32_1 = arith.constant 0 : i32
    return %c0_i32, %c0_i32_0 : i32, i32
  }
  func.func @transform_2(%arg0: i32) -> (i32, i32) {
    %c0_i32 = arith.constant 0 : i32
    %c0_i32_0 = arith.constant 0 : i32
    %c0_i32_1 = arith.constant 0 : i32
    return %c0_i32, %c0_i32_0 : i32, i32
  }
  func.func @transform_3(%arg0: i32) -> (i32, i32) {
    %c0_i32 = arith.constant 0 : i32
    %c0_i32_0 = arith.constant 0 : i32
    return %arg0, %c0_i32 : i32, i32
  }
}

module attributes {stable_mosaic.version = 14 : i64} {
  func.func @body(%arg0: i32, %arg1: memref<2x1000x2x128xbf16, #tpu.memory_space<vmem>>, %arg2: memref<1000x32xf32, #tpu.memory_space<vmem>>, %arg3: memref<1000x512xf32, #tpu.memory_space<vmem>>, %arg4: memref<256x512xbf16, #tpu.memory_space<vmem>>, %arg5: memref<2x1000x2x128xbf16, #tpu.memory_space<vmem>>, %arg6: memref<1000x1xf32, #tpu.memory_space<vmem>>) attributes {dimension_semantics = [#tpu.dimension_semantics<arbitrary>], iteration_bounds = array<i64: 10>, scalar_prefetch = 0 : i64, scratch_operands = 0 : i64, tpu.core_type = #tpu.core_type<tc>, window_params = [{transform_indices = @transform_0, window_bounds = array<i64: 2, 1000, 2, 128>}, {transform_indices = @transform_1, window_bounds = array<i64: 1000, 32>}, {transform_indices = @transform_2, window_bounds = array<i64: 1000, 512>}, {pipeline_mode = #tpu.pipeline_mode<synchronous>, transform_indices = @transform_3, window_bounds = array<i64: 256, 512>}, {transform_indices = @transform_4, window_bounds = array<i64: 2, 1000, 2, 128>}, {transform_indices = @transform_5, window_bounds = array<i64: 1000, 1>}]} {
    %get3A = arith.constant 0 : index
    %get3A_0 = arith.constant 0 : index
    %get3A_1 = arith.constant 0 : index
    %get3A_2 = arith.constant 0 : index
    %get3A_3 = vector.load %arg1[%get3A, %get3A_0, %get3A_1, %get3A_2] : memref<2x1000x2x128xbf16, #tpu.memory_space<vmem>>, vector<1x1000x2x128xbf16>
    %get3A_4 = vector.shape_cast %get3A_3 : vector<1x1000x2x128xbf16> to vector<1000x2x128xbf16>
    %convert_element_type3A = arith.extf %get3A_4 : vector<1000x2x128xbf16> to vector<1000x2x128xf32>
    %get3A_5 = arith.constant 1 : index
    %get3A_6 = arith.constant 0 : index
    %get3A_7 = arith.constant 0 : index
    %get3A_8 = arith.constant 0 : index
    %get3A_9 = vector.load %arg1[%get3A_5, %get3A_6, %get3A_7, %get3A_8] : memref<2x1000x2x128xbf16, #tpu.memory_space<vmem>>, vector<1x1000x2x128xbf16>
    %get3A_10 = vector.shape_cast %get3A_9 : vector<1x1000x2x128xbf16> to vector<1000x2x128xbf16>
    %convert_element_type3A_11 = arith.extf %get3A_10 : vector<1000x2x128xbf16> to vector<1000x2x128xf32>
    %add3A = arith.addf %convert_element_type3A, %convert_element_type3A_11 : vector<1000x2x128xf32>
    %slice3A = vector.extract_strided_slice %add3A {offsets = [0, 0, 0], sizes = [1000, 1, 128], strides = [1, 1, 1]} : vector<1000x2x128xf32> to vector<1000x1x128xf32>
    %squeeze3A = vector.shape_cast %slice3A : vector<1000x1x128xf32> to vector<1000x128xf32>
    %slice3A_12 = vector.extract_strided_slice %add3A {offsets = [0, 1, 0], sizes = [1000, 1, 128], strides = [1, 1, 1]} : vector<1000x2x128xf32> to vector<1000x1x128xf32>
    %squeeze3A_13 = vector.shape_cast %slice3A_12 : vector<1000x1x128xf32> to vector<1000x128xf32>
    %concatenate3A = tpu.concatenate %squeeze3A, %squeeze3A_13 in 1 : vector<1000x128xf32>, vector<1000x128xf32> -> vector<1000x256xf32>
    %get3A_14 = arith.constant 0 : index
    %get3A_15 = arith.constant 0 : index
    %get3A_16 = vector.load %arg2[%get3A_14, %get3A_15] : memref<1000x32xf32, #tpu.memory_space<vmem>>, vector<1000x32xf32>
    %reduce_sum3A = arith.constant dense<0.000000e+00> : vector<1000xf32>
    %reduce_sum3A_17 = vector.multi_reduction <add>, %get3A_16, %reduce_sum3A [1] : vector<1000x32xf32> to vector<1000xf32>
    %broadcast_in_dim3A = vector.shape_cast %reduce_sum3A_17 : vector<1000xf32> to vector<1000x1xf32>
    %swap3A = arith.constant 0 : index
    %swap3A_18 = arith.constant 0 : index
    %swap3A_19 = vector.load %arg6[%swap3A, %swap3A_18] : memref<1000x1xf32, #tpu.memory_space<vmem>>, vector<1000x1xf32>
    tpu.vector_store %arg6[%swap3A, %swap3A_18], %broadcast_in_dim3A {strides = array<i32>} : memref<1000x1xf32, #tpu.memory_space<vmem>>, vector<1000x1xf32>,
    %max3A = arith.constant 1.000000e+00 : f32
    %max3A_20 = vector.broadcast %max3A : f32 to vector<1000x1xf32>
    %max3A_21 = arith.maximumf %broadcast_in_dim3A, %max3A_20 : vector<1000x1xf32>
    %div3A = arith.constant 1.000000e+00 : f32
    %div3A_22 = vector.broadcast %div3A : f32 to vector<1000x1xf32>
    %div3A_23 = arith.divf %div3A_22, %max3A_21 : vector<1000x1xf32>
    %mul3A = vector.broadcast %div3A_23 : vector<1000x1xf32> to vector<1000x256xf32>
    %mul3A_24 = arith.mulf %concatenate3A, %mul3A : vector<1000x256xf32>
    %convert_element_type3A_25 = arith.truncf %mul3A_24 : vector<1000x256xf32> to vector<1000x256xbf16>
    %get3A_26 = arith.constant 0 : index
    %get3A_27 = arith.constant 0 : index
    %get3A_28 = vector.load %arg4[%get3A_26, %get3A_27] : memref<256x512xbf16, #tpu.memory_space<vmem>>, vector<256x512xbf16>
    %dot_general3A = arith.constant dense<0.000000e+00> : vector<1000x512xf32>
    %dot_general3A_29 = tpu.matmul %convert_element_type3A_25, %get3A_28, %dot_general3A {dimension_numbers = #tpu.dot_dimension_numbers<[1], [0], [0], [1], [0, 0, 1, 1], [], []>, transpose_lhs_hint = false} : vector<1000x256xbf16>, vector<256x512xbf16>, vector<1000x512xf32> -> vector<1000x512xf32>
    %get3A_30 = arith.constant 0 : index
    %get3A_31 = arith.constant 0 : index
    %get3A_32 = vector.load %arg3[%get3A_30, %get3A_31] : memref<1000x512xf32, #tpu.memory_space<vmem>>, vector<1000x512xf32>
    %add3A_33 = arith.addf %dot_general3A_29, %get3A_32 : vector<1000x512xf32>
    %max3A_34 = arith.constant 0.000000e+00 : f32
    %max3A_35 = vector.broadcast %max3A_34 : f32 to vector<1000x512xf32>
    %max3A_36 = arith.maximumf %add3A_33, %max3A_35 : vector<1000x512xf32>
    %convert_element_type3A_37 = arith.truncf %max3A_36 : vector<1000x512xf32> to vector<1000x512xbf16>
    %slice3A_38 = vector.extract_strided_slice %convert_element_type3A_37 {offsets = [0, 0], sizes = [1000, 128], strides = [1, 1]} : vector<1000x512xbf16> to vector<1000x128xbf16>
    %swap3A_39 = arith.constant 0 : index
    %swap3A_40 = arith.constant 0 : index
    %swap3A_41 = arith.constant 0 : index
    %swap3A_42 = arith.constant 0 : index
    %swap3A_43 = vector.load %arg5[%swap3A_39, %swap3A_40, %swap3A_41, %swap3A_42] : memref<2x1000x2x128xbf16, #tpu.memory_space<vmem>>, vector<1x1000x1x128xbf16>
    %swap3A_44 = vector.shape_cast %swap3A_43 : vector<1x1000x1x128xbf16> to vector<1000x128xbf16>
    %swap3A_45 = vector.shape_cast %slice3A_38 : vector<1000x128xbf16> to vector<1x1000x1x128xbf16>
    tpu.vector_store %arg5[%swap3A_39, %swap3A_40, %swap3A_41, %swap3A_42], %swap3A_45 {strides = array<i32>} : memref<2x1000x2x128xbf16, #tpu.memory_space<vmem>>, vector<1x1000x1x128xbf16>,
    %slice3A_46 = vector.extract_strided_slice %convert_element_type3A_37 {offsets = [0, 128], sizes = [1000, 128], strides = [1, 1]} : vector<1000x512xbf16> to vector<1000x128xbf16>
    %swap3A_47 = arith.constant 0 : index
    %swap3A_48 = arith.constant 0 : index
    %swap3A_49 = arith.constant 1 : index
    %swap3A_50 = arith.constant 0 : index
    %swap3A_51 = vector.load %arg5[%swap3A_47, %swap3A_48, %swap3A_49, %swap3A_50] : memref<2x1000x2x128xbf16, #tpu.memory_space<vmem>>, vector<1x1000x1x128xbf16>
    %swap3A_52 = vector.shape_cast %swap3A_51 : vector<1x1000x1x128xbf16> to vector<1000x128xbf16>
    %swap3A_53 = vector.shape_cast %slice3A_46 : vector<1000x128xbf16> to vector<1x1000x1x128xbf16>
    tpu.vector_store %arg5[%swap3A_47, %swap3A_48, %swap3A_49, %swap3A_50], %swap3A_53 {strides = array<i32>} : memref<2x1000x2x128xbf16, #tpu.memory_space<vmem>>, vector<1x1000x1x128xbf16>,
    %slice3A_54 = vector.extract_strided_slice %convert_element_type3A_37 {offsets = [0, 256], sizes = [1000, 128], strides = [1, 1]} : vector<1000x512xbf16> to vector<1000x128xbf16>
    %swap3A_55 = arith.constant 1 : index
    %swap3A_56 = arith.constant 0 : index
    %swap3A_57 = arith.constant 0 : index
    %swap3A_58 = arith.constant 0 : index
    %swap3A_59 = vector.load %arg5[%swap3A_55, %swap3A_56, %swap3A_57, %swap3A_58] : memref<2x1000x2x128xbf16, #tpu.memory_space<vmem>>, vector<1x1000x1x128xbf16>
    %swap3A_60 = vector.shape_cast %swap3A_59 : vector<1x1000x1x128xbf16> to vector<1000x128xbf16>
    %swap3A_61 = vector.shape_cast %slice3A_54 : vector<1000x128xbf16> to vector<1x1000x1x128xbf16>
    tpu.vector_store %arg5[%swap3A_55, %swap3A_56, %swap3A_57, %swap3A_58], %swap3A_61 {strides = array<i32>} : memref<2x1000x2x128xbf16, #tpu.memory_space<vmem>>, vector<1x1000x1x128xbf16>,
    %slice3A_62 = vector.extract_strided_slice %convert_element_type3A_37 {offsets = [0, 384], sizes = [1000, 128], strides = [1, 1]} : vector<1000x512xbf16> to vector<1000x128xbf16>
    %swap3A_63 = arith.constant 1 : index
    %swap3A_64 = arith.constant 0 : index
    %swap3A_65 = arith.constant 1 : index
    %swap3A_66 = arith.constant 0 : index
    %swap3A_67 = vector.load %arg5[%swap3A_63, %swap3A_64, %swap3A_65, %swap3A_66] : memref<2x1000x2x128xbf16, #tpu.memory_space<vmem>>, vector<1x1000x1x128xbf16>
    %swap3A_68 = vector.shape_cast %swap3A_67 : vector<1x1000x1x128xbf16> to vector<1000x128xbf16>
    %swap3A_69 = vector.shape_cast %slice3A_62 : vector<1000x128xbf16> to vector<1x1000x1x128xbf16>
    tpu.vector_store %arg5[%swap3A_63, %swap3A_64, %swap3A_65, %swap3A_66], %swap3A_69 {strides = array<i32>} : memref<2x1000x2x128xbf16, #tpu.memory_space<vmem>>, vector<1x1000x1x128xbf16>,
    return
  }
  func.func @transform_0(%arg0: i32) -> (i32, i32, i32, i32) {
    %c0_i32 = arith.constant 0 : i32
    %c0_i32_0 = arith.constant 0 : i32
    %c0_i32_1 = arith.constant 0 : i32
    %c0_i32_2 = arith.constant 0 : i32
    return %c0_i32, %arg0, %c0_i32_0, %c0_i32_1 : i32, i32, i32, i32
  }
  func.func @transform_1(%arg0: i32) -> (i32, i32) {
    %c0_i32 = arith.constant 0 : i32
    %c0_i32_0 = arith.constant 0 : i32
    return %arg0, %c0_i32 : i32, i32
  }
  func.func @transform_2(%arg0: i32) -> (i32, i32) {
    %c0_i32 = arith.constant 0 : i32
    %c0_i32_0 = arith.constant 0 : i32
    return %arg0, %c0_i32 : i32, i32
  }
  func.func @transform_3(%arg0: i32) -> (i32, i32) {
    %c0_i32 = arith.constant 0 : i32
    %c0_i32_0 = arith.constant 0 : i32
    %c0_i32_1 = arith.constant 0 : i32
    return %c0_i32, %c0_i32_0 : i32, i32
  }
  func.func @transform_4(%arg0: i32) -> (i32, i32, i32, i32) {
    %c0_i32 = arith.constant 0 : i32
    %c0_i32_0 = arith.constant 0 : i32
    %c0_i32_1 = arith.constant 0 : i32
    %c0_i32_2 = arith.constant 0 : i32
    return %c0_i32, %arg0, %c0_i32_0, %c0_i32_1 : i32, i32, i32, i32
  }
  func.func @transform_5(%arg0: i32) -> (i32, i32) {
    %c0_i32 = arith.constant 0 : i32
    %c0_i32_0 = arith.constant 0 : i32
    return %arg0, %c0_i32 : i32, i32
  }
}

module attributes {stable_mosaic.version = 14 : i64} {
  func.func @body(%arg0: i32, %arg1: memref<2x1000x2x128xbf16, #tpu.memory_space<vmem>>, %arg2: memref<512x512xbf16, #tpu.memory_space<vmem>>, %arg3: memref<1000x512xf32, #tpu.memory_space<vmem>>) attributes {dimension_semantics = [#tpu.dimension_semantics<arbitrary>], iteration_bounds = array<i64: 10>, scalar_prefetch = 0 : i64, scratch_operands = 0 : i64, tpu.core_type = #tpu.core_type<tc>, window_params = [{transform_indices = @transform_0, window_bounds = array<i64: 2, 1000, 2, 128>}, {pipeline_mode = #tpu.pipeline_mode<synchronous>, transform_indices = @transform_1, window_bounds = array<i64: 512, 512>}, {transform_indices = @transform_2, window_bounds = array<i64: 1000, 512>}]} {
    %get3A = arith.constant 0 : index
    %get3A_0 = arith.constant 0 : index
    %get3A_1 = arith.constant 0 : index
    %get3A_2 = arith.constant 0 : index
    %get3A_3 = vector.load %arg1[%get3A, %get3A_0, %get3A_1, %get3A_2] : memref<2x1000x2x128xbf16, #tpu.memory_space<vmem>>, vector<1x1000x2x128xbf16>
    %get3A_4 = vector.shape_cast %get3A_3 : vector<1x1000x2x128xbf16> to vector<1000x2x128xbf16>
    %slice3A = vector.extract_strided_slice %get3A_4 {offsets = [0, 0, 0], sizes = [1000, 1, 128], strides = [1, 1, 1]} : vector<1000x2x128xbf16> to vector<1000x1x128xbf16>
    %squeeze3A = vector.shape_cast %slice3A : vector<1000x1x128xbf16> to vector<1000x128xbf16>
    %get3A_5 = arith.constant 0 : index
    %get3A_6 = arith.constant 0 : index
    %get3A_7 = arith.constant 0 : index
    %get3A_8 = arith.constant 0 : index
    %get3A_9 = vector.load %arg1[%get3A_5, %get3A_6, %get3A_7, %get3A_8] : memref<2x1000x2x128xbf16, #tpu.memory_space<vmem>>, vector<1x1000x2x128xbf16>
    %get3A_10 = vector.shape_cast %get3A_9 : vector<1x1000x2x128xbf16> to vector<1000x2x128xbf16>
    %slice3A_11 = vector.extract_strided_slice %get3A_10 {offsets = [0, 1, 0], sizes = [1000, 1, 128], strides = [1, 1, 1]} : vector<1000x2x128xbf16> to vector<1000x1x128xbf16>
    %squeeze3A_12 = vector.shape_cast %slice3A_11 : vector<1000x1x128xbf16> to vector<1000x128xbf16>
    %get3A_13 = arith.constant 1 : index
    %get3A_14 = arith.constant 0 : index
    %get3A_15 = arith.constant 0 : index
    %get3A_16 = arith.constant 0 : index
    %get3A_17 = vector.load %arg1[%get3A_13, %get3A_14, %get3A_15, %get3A_16] : memref<2x1000x2x128xbf16, #tpu.memory_space<vmem>>, vector<1x1000x2x128xbf16>
    %get3A_18 = vector.shape_cast %get3A_17 : vector<1x1000x2x128xbf16> to vector<1000x2x128xbf16>
    %slice3A_19 = vector.extract_strided_slice %get3A_18 {offsets = [0, 0, 0], sizes = [1000, 1, 128], strides = [1, 1, 1]} : vector<1000x2x128xbf16> to vector<1000x1x128xbf16>
    %squeeze3A_20 = vector.shape_cast %slice3A_19 : vector<1000x1x128xbf16> to vector<1000x128xbf16>
    %get3A_21 = arith.constant 1 : index
    %get3A_22 = arith.constant 0 : index
    %get3A_23 = arith.constant 0 : index
    %get3A_24 = arith.constant 0 : index
    %get3A_25 = vector.load %arg1[%get3A_21, %get3A_22, %get3A_23, %get3A_24] : memref<2x1000x2x128xbf16, #tpu.memory_space<vmem>>, vector<1x1000x2x128xbf16>
    %get3A_26 = vector.shape_cast %get3A_25 : vector<1x1000x2x128xbf16> to vector<1000x2x128xbf16>
    %slice3A_27 = vector.extract_strided_slice %get3A_26 {offsets = [0, 1, 0], sizes = [1000, 1, 128], strides = [1, 1, 1]} : vector<1000x2x128xbf16> to vector<1000x1x128xbf16>
    %squeeze3A_28 = vector.shape_cast %slice3A_27 : vector<1000x1x128xbf16> to vector<1000x128xbf16>
    %concatenate3A = tpu.concatenate %squeeze3A, %squeeze3A_12, %squeeze3A_20, %squeeze3A_28 in 1 : vector<1000x128xbf16>, vector<1000x128xbf16>, vector<1000x128xbf16>, vector<1000x128xbf16> -> vector<1000x512xbf16>
    %get3A_29 = arith.constant 0 : index
    %get3A_30 = arith.constant 0 : index
    %get3A_31 = vector.load %arg2[%get3A_29, %get3A_30] : memref<512x512xbf16, #tpu.memory_space<vmem>>, vector<512x512xbf16>
    %dot_general3A = arith.constant dense<0.000000e+00> : vector<1000x512xf32>
    %dot_general3A_32 = tpu.matmul %concatenate3A, %get3A_31, %dot_general3A {dimension_numbers = #tpu.dot_dimension_numbers<[1], [0], [0], [1], [0, 0, 1, 1], [], []>, transpose_lhs_hint = false} : vector<1000x512xbf16>, vector<512x512xbf16>, vector<1000x512xf32> -> vector<1000x512xf32>
    %swap3A = arith.constant 0 : index
    %swap3A_33 = arith.constant 0 : index
    %swap3A_34 = vector.load %arg3[%swap3A, %swap3A_33] : memref<1000x512xf32, #tpu.memory_space<vmem>>, vector<1000x512xf32>
    tpu.vector_store %arg3[%swap3A, %swap3A_33], %dot_general3A_32 {strides = array<i32>} : memref<1000x512xf32, #tpu.memory_space<vmem>>, vector<1000x512xf32>,
    return
  }
  func.func @transform_0(%arg0: i32) -> (i32, i32, i32, i32) {
    %c0_i32 = arith.constant 0 : i32
    %c0_i32_0 = arith.constant 0 : i32
    %c0_i32_1 = arith.constant 0 : i32
    %c0_i32_2 = arith.constant 0 : i32
    return %c0_i32, %arg0, %c0_i32_0, %c0_i32_1 : i32, i32, i32, i32
  }
  func.func @transform_1(%arg0: i32) -> (i32, i32) {
    %c0_i32 = arith.constant 0 : i32
    %c0_i32_0 = arith.constant 0 : i32
    %c0_i32_1 = arith.constant 0 : i32
    return %c0_i32, %c0_i32_0 : i32, i32
  }
  func.func @transform_2(%arg0: i32) -> (i32, i32) {
    %c0_i32 = arith.constant 0 : i32
    %c0_i32_0 = arith.constant 0 : i32
    return %arg0, %c0_i32 : i32, i32
  }
}

module attributes {stable_mosaic.version = 14 : i64} {
  func.func @body(%arg0: i32, %arg1: memref<2x1000x2x128xbf16, #tpu.memory_space<vmem>>, %arg2: memref<1000x1xf32, #tpu.memory_space<vmem>>, %arg3: memref<1000x512xf32, #tpu.memory_space<vmem>>, %arg4: memref<512x512xbf16, #tpu.memory_space<vmem>>, %arg5: memref<1x512xf32, #tpu.memory_space<vmem>>, %arg6: memref<1000x512xf32, #tpu.memory_space<vmem>>) attributes {dimension_semantics = [#tpu.dimension_semantics<arbitrary>], iteration_bounds = array<i64: 10>, scalar_prefetch = 0 : i64, scratch_operands = 0 : i64, tpu.core_type = #tpu.core_type<tc>, window_params = [{transform_indices = @transform_0, window_bounds = array<i64: 2, 1000, 2, 128>}, {transform_indices = @transform_1, window_bounds = array<i64: 1000, 1>}, {transform_indices = @transform_2, window_bounds = array<i64: 1000, 512>}, {pipeline_mode = #tpu.pipeline_mode<synchronous>, transform_indices = @transform_3, window_bounds = array<i64: 512, 512>}, {pipeline_mode = #tpu.pipeline_mode<synchronous>, transform_indices = @transform_4, window_bounds = array<i64: 1, 512>}, {transform_indices = @transform_5, window_bounds = array<i64: 1000, 512>}]} {
    %get3A = arith.constant 0 : index
    %get3A_0 = arith.constant 0 : index
    %get3A_1 = arith.constant 0 : index
    %get3A_2 = arith.constant 0 : index
    %get3A_3 = vector.load %arg1[%get3A, %get3A_0, %get3A_1, %get3A_2] : memref<2x1000x2x128xbf16, #tpu.memory_space<vmem>>, vector<1x1000x2x128xbf16>
    %get3A_4 = vector.shape_cast %get3A_3 : vector<1x1000x2x128xbf16> to vector<1000x2x128xbf16>
    %slice3A = vector.extract_strided_slice %get3A_4 {offsets = [0, 0, 0], sizes = [1000, 1, 128], strides = [1, 1, 1]} : vector<1000x2x128xbf16> to vector<1000x1x128xbf16>
    %squeeze3A = vector.shape_cast %slice3A : vector<1000x1x128xbf16> to vector<1000x128xbf16>
    %convert_element_type3A = arith.extf %squeeze3A : vector<1000x128xbf16> to vector<1000x128xf32>
    %get3A_5 = arith.constant 0 : index
    %get3A_6 = arith.constant 0 : index
    %get3A_7 = arith.constant 0 : index
    %get3A_8 = arith.constant 0 : index
    %get3A_9 = vector.load %arg1[%get3A_5, %get3A_6, %get3A_7, %get3A_8] : memref<2x1000x2x128xbf16, #tpu.memory_space<vmem>>, vector<1x1000x2x128xbf16>
    %get3A_10 = vector.shape_cast %get3A_9 : vector<1x1000x2x128xbf16> to vector<1000x2x128xbf16>
    %slice3A_11 = vector.extract_strided_slice %get3A_10 {offsets = [0, 1, 0], sizes = [1000, 1, 128], strides = [1, 1, 1]} : vector<1000x2x128xbf16> to vector<1000x1x128xbf16>
    %squeeze3A_12 = vector.shape_cast %slice3A_11 : vector<1000x1x128xbf16> to vector<1000x128xbf16>
    %convert_element_type3A_13 = arith.extf %squeeze3A_12 : vector<1000x128xbf16> to vector<1000x128xf32>
    %get3A_14 = arith.constant 1 : index
    %get3A_15 = arith.constant 0 : index
    %get3A_16 = arith.constant 0 : index
    %get3A_17 = arith.constant 0 : index
    %get3A_18 = vector.load %arg1[%get3A_14, %get3A_15, %get3A_16, %get3A_17] : memref<2x1000x2x128xbf16, #tpu.memory_space<vmem>>, vector<1x1000x2x128xbf16>
    %get3A_19 = vector.shape_cast %get3A_18 : vector<1x1000x2x128xbf16> to vector<1000x2x128xbf16>
    %slice3A_20 = vector.extract_strided_slice %get3A_19 {offsets = [0, 0, 0], sizes = [1000, 1, 128], strides = [1, 1, 1]} : vector<1000x2x128xbf16> to vector<1000x1x128xbf16>
    %squeeze3A_21 = vector.shape_cast %slice3A_20 : vector<1000x1x128xbf16> to vector<1000x128xbf16>
    %convert_element_type3A_22 = arith.extf %squeeze3A_21 : vector<1000x128xbf16> to vector<1000x128xf32>
    %get3A_23 = arith.constant 1 : index
    %get3A_24 = arith.constant 0 : index
    %get3A_25 = arith.constant 0 : index
    %get3A_26 = arith.constant 0 : index
    %get3A_27 = vector.load %arg1[%get3A_23, %get3A_24, %get3A_25, %get3A_26] : memref<2x1000x2x128xbf16, #tpu.memory_space<vmem>>, vector<1x1000x2x128xbf16>
    %get3A_28 = vector.shape_cast %get3A_27 : vector<1x1000x2x128xbf16> to vector<1000x2x128xbf16>
    %slice3A_29 = vector.extract_strided_slice %get3A_28 {offsets = [0, 1, 0], sizes = [1000, 1, 128], strides = [1, 1, 1]} : vector<1000x2x128xbf16> to vector<1000x1x128xbf16>
    %squeeze3A_30 = vector.shape_cast %slice3A_29 : vector<1000x1x128xbf16> to vector<1000x128xbf16>
    %convert_element_type3A_31 = arith.extf %squeeze3A_30 : vector<1000x128xbf16> to vector<1000x128xf32>
    %concatenate3A = tpu.concatenate %convert_element_type3A, %convert_element_type3A_13, %convert_element_type3A_22, %convert_element_type3A_31 in 1 : vector<1000x128xf32>, vector<1000x128xf32>, vector<1000x128xf32>, vector<1000x128xf32> -> vector<1000x512xf32>
    %get3A_32 = arith.constant 0 : index
    %get3A_33 = arith.constant 0 : index
    %get3A_34 = vector.load %arg2[%get3A_32, %get3A_33] : memref<1000x1xf32, #tpu.memory_space<vmem>>, vector<1000x1xf32>
    %max3A = arith.constant 1.000000e+00 : f32
    %max3A_35 = vector.broadcast %max3A : f32 to vector<1000x1xf32>
    %max3A_36 = arith.maximumf %get3A_34, %max3A_35 : vector<1000x1xf32>
    %div3A = arith.constant 1.000000e+00 : f32
    %div3A_37 = vector.broadcast %div3A : f32 to vector<1000x1xf32>
    %div3A_38 = arith.divf %div3A_37, %max3A_36 : vector<1000x1xf32>
    %mul3A = vector.broadcast %div3A_38 : vector<1000x1xf32> to vector<1000x512xf32>
    %mul3A_39 = arith.mulf %concatenate3A, %mul3A : vector<1000x512xf32>
    %convert_element_type3A_40 = arith.truncf %mul3A_39 : vector<1000x512xf32> to vector<1000x512xbf16>
    %get3A_41 = arith.constant 0 : index
    %get3A_42 = arith.constant 0 : index
    %get3A_43 = vector.load %arg4[%get3A_41, %get3A_42] : memref<512x512xbf16, #tpu.memory_space<vmem>>, vector<512x512xbf16>
    %dot_general3A = arith.constant dense<0.000000e+00> : vector<1000x512xf32>
    %dot_general3A_44 = tpu.matmul %convert_element_type3A_40, %get3A_43, %dot_general3A {dimension_numbers = #tpu.dot_dimension_numbers<[1], [0], [0], [1], [0, 0, 1, 1], [], []>, transpose_lhs_hint = false} : vector<1000x512xbf16>, vector<512x512xbf16>, vector<1000x512xf32> -> vector<1000x512xf32>
    %get3A_45 = arith.constant 0 : index
    %get3A_46 = arith.constant 0 : index
    %get3A_47 = vector.load %arg3[%get3A_45, %get3A_46] : memref<1000x512xf32, #tpu.memory_space<vmem>>, vector<1000x512xf32>
    %add3A = arith.addf %dot_general3A_44, %get3A_47 : vector<1000x512xf32>
    %get3A_48 = arith.constant 0 : index
    %get3A_49 = arith.constant 0 : index
    %get3A_50 = vector.load %arg5[%get3A_48, %get3A_49] : memref<1x512xf32, #tpu.memory_space<vmem>>, vector<1x512xf32>
    %add3A_51 = vector.broadcast %get3A_50 : vector<1x512xf32> to vector<1000x512xf32>
    %add3A_52 = arith.addf %add3A, %add3A_51 : vector<1000x512xf32>
    %swap3A = arith.constant 0 : index
    %swap3A_53 = arith.constant 0 : index
    %swap3A_54 = vector.load %arg6[%swap3A, %swap3A_53] : memref<1000x512xf32, #tpu.memory_space<vmem>>, vector<1000x512xf32>
    tpu.vector_store %arg6[%swap3A, %swap3A_53], %add3A_52 {strides = array<i32>} : memref<1000x512xf32, #tpu.memory_space<vmem>>, vector<1000x512xf32>,
    return
  }
  func.func @transform_0(%arg0: i32) -> (i32, i32, i32, i32) {
    %c0_i32 = arith.constant 0 : i32
    %c0_i32_0 = arith.constant 0 : i32
    %c0_i32_1 = arith.constant 0 : i32
    %c0_i32_2 = arith.constant 0 : i32
    return %c0_i32, %arg0, %c0_i32_0, %c0_i32_1 : i32, i32, i32, i32
  }
  func.func @transform_1(%arg0: i32) -> (i32, i32) {
    %c0_i32 = arith.constant 0 : i32
    %c0_i32_0 = arith.constant 0 : i32
    return %arg0, %c0_i32 : i32, i32
  }
  func.func @transform_2(%arg0: i32) -> (i32, i32) {
    %c0_i32 = arith.constant 0 : i32
    %c0_i32_0 = arith.constant 0 : i32
    return %arg0, %c0_i32 : i32, i32
  }
  func.func @transform_3(%arg0: i32) -> (i32, i32) {
    %c0_i32 = arith.constant 0 : i32
    %c0_i32_0 = arith.constant 0 : i32
    %c0_i32_1 = arith.constant 0 : i32
    return %c0_i32, %c0_i32_0 : i32, i32
  }
  func.func @transform_4(%arg0: i32) -> (i32, i32) {
    %c0_i32 = arith.constant 0 : i32
    %c0_i32_0 = arith.constant 0 : i32
    %c0_i32_1 = arith.constant 0 : i32
    return %c0_i32, %c0_i32_0 : i32, i32
  }
  func.func @transform_5(%arg0: i32) -> (i32, i32) {
    %c0_i32 = arith.constant 0 : i32
    %c0_i32_0 = arith.constant 0 : i32
    return %arg0, %c0_i32 : i32, i32
  }
}

</mosaic_0001>

<sc_bundles>
// kernel: kernel.11.cloned.1.call-start
scs
__scs_entry_jumppad:
0x0: {  	(pc) =	sbr.rel $0x88, $3  }
0x1: {  	(tag) =	ssettag $0x0;
	lr =	simm.s32 $0x1  }
0x2: {  	[smem:$0x3F99] =	sst lr;
	_ =	strace $0xD0000000  }
0x3: {  	_ = 	snop  }
0x4: {  	_ = 	snop  }
0x5: {  	_ = 	snop  }
0x6: {  	_ = 	snop  }
0x7: {  	_ = 	snop  }
__scs_overlays_trampoline_lowered:
0x8: {  	[smem:$0x3FA8] =	sst s0  }
0x9: {  	[smem:$0x3FA9] =	sst s1  }
0xa: {  	[smem:$0x3FAA] =	sst s2  }
0xb: {  	[smem:$0x3FAB] =	sst s3  }
0xc: {  	[smem:$0x3FAC] =	sst s4  }
0xd: {  	[smem:$0x3FAD] =	sst s5  }
0xe: {  	[smem:$0x3FAE] =	sst s6  }
0xf: {  	[smem:$0x3FAF] =	sst s7  }
0x10: {  	[smem:$0x3FB0] =	sst s8  }
0x11: {  	[smem:$0x3FB1] =	sst s9;
	s0 =	simm.s32 @!p0 $0x0  }
0x12: {  	s1 =	sld [smem:$0x3F97];
	s0 =	simm.s32 @p0 $0x1  }
0x13: {  	[smem:$0x3FB2] =	sst s0;
	s0 =	simm.s32 @!p1 $0x0  }
0x14: {  	s2 =	sld [smem:$0x3F96];
	s0 =	simm.s32 @p1 $0x1  }
0x15: {  	[smem:$0x3FB3] =	sst s0;
	s0 =	simm.s32 @!p2 $0x0  }
0x16: {  	s3 =	sld [smem:$0x3FDB];
	s0 =	simm.s32 @p2 $0x1  }
0x17: {  	s4 =	simm.s32 $0x1BF5;
	[smem:$0x3FB5] =	sst s0  }
0x18: {  	s0 =	sld [smem:$0x3F98];
	_ =	swait.ge [sflag:s4], $0x0  }
0x19: {  	s7 =	sld [smem:$0x3F99]  }
0x1a: {  	s8 =	sadd.s32 $0xFFFFE003, lr  }
0x1b: {  	s9 =	sadd.s32 $0xFFFFFEF7, lr;
	s5 =	simm.s32 $0xFFFFFFFF;
	p2 =	slt.u32 s8, $0xFFFFF086  }
0x1c: {  	p1 =	slt.u32 s9, $0xF7A;
	s5 =	simm.s32 @!p2 $0x0  }
0x1d: {  	s5 =	simm.s32 @p1 $0x1;
	p0 =	seq.s32 s7, s2  }
0x1e: {  	s7 =	smul.u32 @!p0 $0xF7A, s2;
	p2 =	seq.s32 @!p0 s5, $0x0  }
0x1f: {  	s9 =	smul.u32 $0xF7A, s1;
	s8 =	simm.s32 @!p0 $0x1BF5;
	p2 =	por !p2, p0  }
0x20: {  	[sflag:s8] =	ssyncset.s32 @!p0 $0xFFFFF086;
	s6 =	sadd.s32 @!p0 s3, s7;
	s7 =	simm.s32 @!p0 $0x108  }
0x21: {  	s3 =	sadd.s32 s3, s9;
	s6 =	sadd.s32 @!p0 $0x88, s6;
	s7 =	simm.s32 @p2 $0x1082  }
0x22: {  	[simem:s7], [sflag:s8] =	dma.local @!p0 [hbm:s6], $0xF7A  }
0x23: {  	s9 =	sor.u32 $0xD0000000, s2;
	s6 =	simm.s32 $0x108;
	_ =	swait.ge @!p0 [sflag:s8], $0x0  }
0x24: {  	s3 =	sadd.s32 $0x88, s3;
	s6 =	simm.s32 @!p1 $0x1082;
	[sflag:s4] =	ssyncset.s32 $0xFFFFF086  }
0x25: {  	[simem:s6], [sflag:s4] =	dma.local [hbm:s3], $0xF7A  }
0x26: {  	[smem:$0x3F99] =	sst s1;
	(tag) =	ssettag s2;
	_ =	strace s9  }
0x27: {  	s1 =	sld [smem:$0x3FA9]  }
0x28: {  	s2 =	sld [smem:$0x3FAA]  }
0x29: {  	s4 =	sld [smem:$0x3FAC]  }
0x2a: {  	p0 =	seq.s32 s5, $0x0;
	s5 =	sld [smem:$0x3FAD]  }
0x2b: {  	s6 =	sld [smem:$0x3FAE]  }
0x2c: {  	s7 =	sld [smem:$0x3FAF]  }
0x2d: {  	s3 =	simm.s32 $0x108;
	s8 =	sld [smem:$0x3FB0]  }
0x2e: {  	s3 =	simm.s32 @!p0 $0x1082;
	s9 =	sld [smem:$0x3FB1]  }
0x2f: {  	lr =	sadd.s32 s0, s3;
	s0 =	sld [smem:$0x3FA8]  }
0x30: {  	s3 =	sld [smem:$0x3FAB]  }
0x31: {  	[smem:$0x3FB4] =	sst s10  }
0x32: {  	s10 =	sld [smem:$0x3FB2];
	_ =	sdelay $0x3  }
0x33: {  	p0 =	seq.s32 s10, $0x1;
	s10 =	sld [smem:$0x3FB4];
	_ =	sdelay $0x3  }
0x34: {  	[smem:$0x3FB4] =	sst s10  }
0x35: {  	s10 =	sld [smem:$0x3FB3];
	_ =	sdelay $0x3  }
0x36: {  	p1 =	seq.s32 s10, $0x1;
	s10 =	sld [smem:$0x3FB4];
	_ =	sdelay $0x3  }
0x37: {  	[smem:$0x3FB4] =	sst s10  }
0x38: {  	s10 =	sld [smem:$0x3FB5]  }
0x39: {  	_ = 	snop;
	(pc) =	sbr.ind lr, $3  }
0x3a: {  	_ = 	snop  }
0x3b: {  	_ = 	snop  }
0x3c: {  	p2 =	seq.s32 s10, $0x1;
	s10 =	sld [smem:$0x3FB4]  }
0x3d: {  	_ =	shalt  }
0x3e: {  	_ =	shalt  }
0x3f: {  	_ =	shalt  }
0x40: {  	_ =	shalt  }
0x41: {  	_ =	shalt  }
0x42: {  	_ =	shalt  }
0x43: {  	_ =	shalt  }
0x44: {  	_ =	shalt  }
0x45: {  	_ =	shalt  }
0x46: {  	_ =	shalt  }
0x47: {  	_ =	shalt  }
0x48: {  	_ =	shalt  }
0x49: {  	_ =	shalt  }
0x4a: {  	_ =	shalt  }
0x4b: {  	_ =	shalt  }
0x4c: {  	_ =	shalt  }
0x4d: {  	_ =	shalt  }
0x4e: {  	_ =	shalt  }
0x4f: {  	_ =	shalt  }
0x50: {  	_ =	shalt  }
0x51: {  	_ =	shalt  }
0x52: {  	_ =	shalt  }
0x53: {  	_ =	shalt  }
0x54: {  	_ =	shalt  }
0x55: {  	_ =	shalt  }
0x56: {  	_ =	shalt  }
0x57: {  	_ =	shalt  }
0x58: {  	_ =	shalt  }
0x59: {  	_ =	shalt  }
0x5a: {  	_ =	shalt  }
0x5b: {  	_ =	shalt  }
0x5c: {  	_ =	shalt  }
0x5d: {  	_ =	shalt  }
0x5e: {  	_ =	shalt  }
0x5f: {  	_ =	shalt  }
0x60: {  	_ =	shalt  }
0x61: {  	_ =	shalt  }
0x62: {  	_ =	shalt  }
0x63: {  	_ =	shalt  }
0x64: {  	_ =	shalt  }
0x65: {  	_ =	shalt  }
0x66: {  	_ =	shalt  }
0x67: {  	_ =	shalt  }
0x68: {  	_ =	shalt  }
0x69: {  	_ =	shalt  }
0x6a: {  	_ =	shalt  }
0x6b: {  	_ =	shalt  }
0x6c: {  	_ =	shalt  }
0x6d: {  	_ =	shalt  }
0x6e: {  	_ =	shalt  }
0x6f: {  	_ =	shalt  }
0x70: {  	_ =	shalt  }
0x71: {  	_ =	shalt  }
0x72: {  	_ =	shalt  }
0x73: {  	_ =	shalt  }
0x74: {  	_ =	shalt  }
0x75: {  	_ =	shalt  }
0x76: {  	_ =	shalt  }
0x77: {  	_ =	shalt  }
0x78: {  	_ =	shalt  }
0x79: {  	_ =	shalt  }
0x7a: {  	_ =	shalt  }
0x7b: {  	_ =	shalt  }
0x7c: {  	_ =	shalt  }
0x7d: {  	_ =	shalt  }
0x7e: {  	_ =	shalt  }
0x7f: {  	_ =	shalt  }
0x80: {  	_ =	shalt  }
0x81: {  	_ =	shalt  }
0x82: {  	_ =	shalt  }
0x83: {  	_ =	shalt  }
0x84: {  	_ =	shalt  }
0x85: {  	_ =	shalt  }
0x86: {  	_ =	shalt  }
0x87: {  	_ =	shalt  }
.Lfunc_end0:
.L_simem_size_0:
called_computation.1_lowered:
.L_overlay_start_0:
0x88: {  	s2 =	sld [smem:$0x3FD9]  }
0x89: {  	s3 =	sld [smem:$0x3FFE];
	_ =	sdelay $0x1  }
0x8a: {  	s1 =	srdreg.scid  }
0x8b: {  	s0 =	sand.u32 $0x1, s1  }
0x8c: {  	s17 =	sshll.u32 s0, $0xA;
	s2 =	sadd.s32 s3, s2  }
0x8d: {  	s2 =	sadd.s32 s2, s17  }
0x8e: {  	[smem:$0x3FC0] =	sst s2  }
0x8f: {  	_ = 	snop  }
0x90: {  	s2 =	sld [smem:$0x3FD0];
	(tm) =	ssettm $0x1  }
0x91: {  	s18 =	sld [smem:$0x3FFB];
	_ =	sdelay $0x3  }
0x92: {  	_ =	strace s18  }
0x93: {  	s3 =	sld [smem:$0x3FFC];
	_ =	sdelay $0x3  }
0x94: {  	_ =	strace s3  }
0x95: {  	s3 =	sld [smem:$0x3FFD];
	_ =	sdelay $0x3  }
0x96: {  	_ =	strace s3  }
0x97: {  	_ =	strace $0x8FFFFFFF  }
0x98: {  	s19 =	sld [smem:$0x3FDB];
	_ =	sdelay $0x1  }
0x99: {  	s4 =	simm.s32 $_scs_section_size  }
0x9a: {  	s5 =	simm.s32 $_size__tile_overlayer_lowered;
	s6 =	simm.s32 $_tile_overlayer_lowered  }
0x9b: {  	s22 =	simm.s32 $0x1BFF;
	s21 =	sshll.u32 s6, $0x1;
	s3 =	sadd.s32 s4, s19  }
0x9c: {  	s7 =	simm.s32 $0x0;
	s20 =	sshll.u32 s5, $0x1;
	s5 =	sadd.s32 s21, s3  }
0x9d: {  	[timem:s7], [sflag:s22] =	dma.local [hbm:s5], s20  }
0x9e: {  	_ =	swait.ge [sflag:s22], s20  }
0x9f: {  	s4 =	ssub.s32 $0x0, s20;
	[sflag:s22] =	ssyncset.done $0x0  }
0xa0: {  	[sflag:s22] =	ssyncadd.s32 s4;
	_ =	sdelay $0x1  }
0xa1: {  	s23 =	simm.s32 $0x1B8B  }
0xa2: {  	_ =	swait.ge [sflag:s23], $0x1  }
0xa3: {  	[sflag:s23] =	ssyncset.done $0x0  }
0xa4: {  	s25 =	simm.s32 $0x1B8E;
	s24 =	sld [smem:$0x3FFE];
	[sflag:s23] =	ssyncadd.s32 $0xFFFFFFFF  }
0xa5: {  	s26 =	simm.s32 $execute0_lowered;
	[smem:$0x3FD2] =	sst s25  }
0xa6: {  	s5 =	sshll.u32 s26, $0x1;
	_ =	strace $0x80000049;
	[dreg:$0x1] =	wrdreg $0xFFFFFFFF  }
0xa7: {  	s28 =	simm.s32 $_size_execute0_lowered;
	s3 =	sadd.s32 s3, s5;
	[dreg:$0x0] =	wrdreg $0x0  }
0xa8: {  	s5 =	sshll.u32 s28, $0x1;
	[dreg:$0x2] =	wrdreg s3  }
0xa9: {  	[dreg:$0x3] =	wrdreg s5  }
0xaa: {  	[dreg:$0x4] =	wrdreg $0xC0  }
0xab: {  	_ =	task [dreg:s7], $0x5FFFF  }
0xac: {  	[dreg:$0x1] =	wrdreg $0xFFFFFFFF  }
0xad: {  	[dreg:$0x0] =	wrdreg $0x60  }
0xae: {  	[dreg:$0x2] =	wrdreg s2  }
0xaf: {  	[dreg:$0x3] =	wrdreg s24  }
0xb0: {  	[dreg:$0x4] =	wrdreg $0x0  }
0xb1: {  	[dreg:$0x5] =	wrdreg $0x9  }
0xb2: {  	_ =	task.clear_ibuf [dreg:s7], $0x6FFFF;
	_ =	strace $0x90000049  }
0xb3: {  	s29 =	simm.s32 $0x9;
	_ =	strace $0x8000004B  }
0xb4: {  	_ =	swait.ge [sflag:s29], $0x1  }
0xb5: {  	[sflag:s29] =	ssyncadd.s32 $0xFFFFFFFF  }
0xb6: {  	_ =	strace $0x9000004B  }
0xb7: {  	_ =	sfence  }
0xb8: {  	s30 =	sld [smem:$0x0];
	_ =	sdelay $0x2  }
0xb9: {  	s31 =	sshll.u32 s1, $0xD;
	s1 =	sshrl.u32 s1, $0x2  }
0xba: {  	s3 =	sand.u32 $0x4000, s31;
	s1 =	sadd.s32 s1, s30  }
0xbb: {  	s0 =	sor.u32 s3, s0;
	s1 =	sshll.u32 s1, $0x11  }
0xbc: {  	s0 =	sor.u32 s1, s0  }
0xbd: {  	s0 =	sadd.s32 $0x8F2B, s0  }
0xbe: {  	[sflag:s0] =	ssyncadd.remote.s32 $0x1  }
0xbf: {  	_ =	sfence.sel $0xFFFF  }
0xc0: {  	[dreg:$0x0] =	wrdreg $0xFFFFFFFF;
	(pc) =	sbr.abs _section_cstart, $3  }
0xc1: {  	[dreg:$0x1] =	wrdreg $0xFFFFFFFF  }
0xc2: {  	_ =	task.clear_ibuf [dreg:s7], $0x2FFFF;
	_ =	strace $0x9FFFFFFF  }
0xc3: {  	(tm) =	ssettm $0x7FFFFFFF  }
tec
execute0_lowered:
.L_overlay_start_1:
0x0: {  	(tag) =	ssettag $0x1  }
0x1: {  	s7 =	rddreg [dreg:$0x0]  }
0x2: {  	s5 =	rddreg [dreg:$0x1]  }
0x3: {  	s2 =	rddreg [dreg:$0x2]  }
0x4: {  	s0 =	rddreg [dreg:$0x3];
	s3 =	simm.s32 $0x0;
	s1 =	stileid.u32  }
0x5: {  	s4 =	srdreg.scid;
	s14 =	simm.s32 $0x40;
	s15 =	simm.s32 $0x18C00  }
0x6: {  	s16 =	simm.s32 $0x1;
	s17 =	simm.s32 $0x13C40;
	s18 =	simm.s32 $0x1AC00  }
0x7: {  	s19 =	simm.s32 $0x2;
	s20 =	simm.s32 $0x3;
	s21 =	simm.s32 $0x4  }
0x8: {  	s22 =	simm.s32 $0x18BC0;
	[smem:$0x7FF] =	sst s3;
	s6 =	smul.u32 $0x500, s1  }
0x9: {  	s8 =	sand.u32 $0x1, s4;
	s11 =	smul.u32 $0x27800, s1;
	s4 =	sadd.s32 $0x2000, s5  }
0xa: {  	s31 =	sshll.u32 s1, $0x6;
	_ =	strace $0x8000004A;
	s9 =	smul.u32 $0x27800, s8  }
0xb: {  	s10 =	ssub.s32 $0x2, s8;
	s8 =	smul.u32 $0x28000, s8;
	s6 =	sadd.s32 s6, s5  }
0xc: {  	s30 =	sshrl.u32 s10, $0x1;
	s12 =	sshrl.u32 s11, $0x1;
	s24 =	sshrl.u32 s11, $0x4  }
0xd: {  	s11 =	simm.s32 $0x16400;
	s9 =	sadd.s32 s9, s5;
	s10 =	ssub.s32 s10, s30  }
0xe: {  	s5 =	sadd.s32 $0x9800, s6;
	s6 =	sadd.s32 $0x4800, s6;
	s13 =	sadd.s32 s12, s2  }
0xf: {  	s7 =	sadd.s32 s7, s8;
	s12 =	sor.u32 $0x1C05, s31;
	s23 =	sadd.s32 $0x5E800, s9  }
0x10: {  	s8 =	smax.u32 s10, $0x1;
	s9 =	simm.s32 $0x13C00;
	s10 =	simm.s32 $0x5  }
0x11: {  	s13 =	sshrl.u32 s13, $0x3;
	s23 =	sadd.s32 s24, s23;
	s24 =	simm.s32 $0x0  }
.LBB2_1:
0x12: {  	[tilespmem:s9], [sflag:$0x5] =	stream.linear.gather [hbm4b:s5+s3], $0x2800, $0x38;
	[tilespmem:$0x1CC00] =	vst v63  }
0x13: {  	_ =	swait.ge [sflag:s10], $0x2800  }
0x14: {  	[sflag:s10] =	ssyncset.done $0x0  }
0x15: {  	[sflag:s10] =	ssyncadd.s32 $0xFFFFD800  }
0x16: {  	[tilespmem:s11], [sflag:$0x5] =	stream.linear.gather [hbm4b:s6+s3], $0x2800, $0x38;
	[tilespmem:$0x1CC00] =	vst v63  }
0x17: {  	_ =	swait.ge [sflag:s10], $0x2800  }
0x18: {  	[sflag:s10] =	ssyncset.done $0x0  }
0x19: {  	[sflag:s10] =	ssyncadd.s32 $0xFFFFD800  }
0x1a: {  	[spmem:s13], [sflag:s12] =	dma.local [hbm:s4], $0x2780  }
0x1b: {  	_ =	swait.ge [sflag:s10], $0x2780  }
0x1c: {  	[sflag:s10] =	ssyncset.done $0x0  }
0x1d: {  	[sflag:s10] =	ssyncadd.s32 $0xFFFFD880  }
0x1e: {  	[bflag:$0x0] =	sbarrier.arrive $0xFFFF  }
0x1f: {  	[tilespmem:s15], [sflag:$0x1] =	stream.indirect.gather [hbm4b:s7+s14], $0x80, s9, s14, $0xb8;
	[tilespmem:$0x1CC00] =	vst v63  }
0x20: {  	_ =	swait.ge [sflag:s16], $0x2000  }
0x21: {  	[sflag:s16] =	ssyncset.done $0x0  }
0x22: {  	[sflag:s16] =	ssyncadd.s32 $0xFFFFE000  }
0x23: {  	[spmem:s2] =	stream.indirect.scatter.add.bf16 [tilespmem:s15], [sflag:$0x3], $0x80, s11, s14, $0xb8;
	[tilespmem:$0x1CC00] =	vst v63  }
0x24: {  	_ = 	snop  }
0x25: {  	[tilespmem:s18], [sflag:$0x2] =	stream.indirect.gather [hbm4b:s7+s14], $0x80, s17, s14, $0xb8;
	[tilespmem:$0x1CC00] =	vst v63  }
0x26: {  	_ =	swait.ge [sflag:s19], $0x2000  }
0x27: {  	[sflag:s19] =	ssyncset.done $0x0  }
0x28: {  	s25 =	simm.s32 $0x16440;
	[sflag:s19] =	ssyncadd.s32 $0xFFFFE000  }
0x29: {  	[spmem:s2] =	stream.indirect.scatter.add.bf16 [tilespmem:s18], [sflag:$0x4], $0x80, s25, s14, $0xb8;
	[tilespmem:$0x1CC00] =	vst v63  }
0x2a: {  	_ =	swait.ge [sflag:s20], $0x2000  }
0x2b: {  	[sflag:s20] =	ssyncset.done $0x0  }
0x2c: {  	s30 =	simm.s32 $0x13C80;
	[sflag:s20] =	ssyncadd.s32 $0xFFFFE000  }
0x2d: {  	[tilespmem:s15], [sflag:$0x1] =	stream.indirect.gather [hbm4b:s7+s14], $0x80, s30, s14, $0xb8;
	[tilespmem:$0x1CC00] =	vst v63  }
0x2e: {  	_ =	swait.ge [sflag:s16], $0x2000  }
0x2f: {  	[sflag:s16] =	ssyncset.done $0x0  }
0x30: {  	s31 =	simm.s32 $0x16480;
	[sflag:s16] =	ssyncadd.s32 $0xFFFFE000  }
0x31: {  	[spmem:s2] =	stream.indirect.scatter.add.bf16 [tilespmem:s15], [sflag:$0x3], $0x80, s31, s14, $0xb8;
	[tilespmem:$0x1CC00] =	vst v63  }
0x32: {  	_ =	swait.ge [sflag:s21], $0x2000  }
0x33: {  	[sflag:s21] =	ssyncset.done $0x0  }
0x34: {  	s26 =	simm.s32 $0x13CC0;
	s25 =	simm.s32 $0xFFFF6400;
	[sflag:s21] =	ssyncadd.s32 $0xFFFFE000  }
.LBB2_2:
0x35: {  	[tilespmem:s18], [sflag:$0x2] =	stream.indirect.gather [hbm4b:s7+s14], $0x80, s26, s14, $0xb8;
	[tilespmem:$0x1CC00] =	vst v63  }
0x36: {  	s26 =	smov.u32 s25  }
0x37: {  	p0 =	sne.s32 s25, $0xFFFFFE00;
	s25 =	sadd.s32 $0x200, s25;
	_ =	swait.ge [sflag:s19], $0x2000  }
0x38: {  	s26 =	sshra.s32 s26, $0x2;
	[sflag:s19] =	ssyncset.done $0x0  }
0x39: {  	s28 =	sadd.s32 $0x18BC0, s26;
	[sflag:s19] =	ssyncadd.s32 $0xFFFFE000  }
0x3a: {  	[spmem:s2] =	stream.indirect.scatter.add.bf16 [tilespmem:s18], [sflag:$0x4], $0x80, s28, s14, $0xb8;
	[tilespmem:$0x1CC00] =	vst v63  }
0x3b: {  	_ =	swait.ge [sflag:s20], $0x2000  }
0x3c: {  	[sflag:s20] =	ssyncset.done $0x0  }
0x3d: {  	s28 =	sadd.s32 $0x16400, s26;
	[sflag:s20] =	ssyncadd.s32 $0xFFFFE000  }
0x3e: {  	[tilespmem:s15], [sflag:$0x1] =	stream.indirect.gather [hbm4b:s7+s14], $0x80, s28, s14, $0xb8;
	[tilespmem:$0x1CC00] =	vst v63  }
0x3f: {  	_ =	swait.ge [sflag:s16], $0x2000  }
0x40: {  	[sflag:s16] =	ssyncset.done $0x0  }
.Ltmp0:
0x41: {  	s28 =	sadd.s32 $0x18C00, s26;
	[sflag:s16] =	ssyncadd.s32 $0xFFFFE000;
	(pc) =	sbr.rel @p0 .LBB2_2-.Ltmp0, $4  }
0x42: {  	[spmem:s2] =	stream.indirect.scatter.add.bf16 [tilespmem:s15], [sflag:$0x3], $0x80, s28, s14, $0xb8;
	[tilespmem:$0x1CC00] =	vst v63  }
0x43: {  	_ =	swait.ge [sflag:s21], $0x2000  }
0x44: {  	[sflag:s21] =	ssyncset.done $0x0  }
0x45: {  	s26 =	sadd.s32 $0x16440, s26;
	[sflag:s21] =	ssyncadd.s32 $0xFFFFE000  }
0x46: {  	[tilespmem:s18], [sflag:$0x2] =	stream.indirect.gather [hbm4b:s7+s14], $0x80, s26, s14, $0xb8;
	[tilespmem:$0x1CC00] =	vst v63  }
0x47: {  	_ =	swait.ge [sflag:s19], $0x2000  }
0x48: {  	[sflag:s19] =	ssyncset.done $0x0  }
0x49: {  	[sflag:s19] =	ssyncadd.s32 $0xFFFFE000  }
0x4a: {  	[spmem:s2] =	stream.indirect.scatter.add.bf16 [tilespmem:s18], [sflag:$0x4], $0x80, s22, s14, $0xb8;
	[tilespmem:$0x1CC00] =	vst v63  }
0x4b: {  	_ =	swait.ge [sflag:s20], $0x2000  }
0x4c: {  	[sflag:s20] =	ssyncset.done $0x0  }
0x4d: {  	[sflag:s20] =	ssyncadd.s32 $0xFFFFE000  }
0x4e: {  	_ =	swait.ge [sflag:s21], $0x2000  }
0x4f: {  	s24 =	sadd.s32 $0x1, s24;
	[sflag:s21] =	ssyncset.done $0x0  }
0x50: {  	p0 =	sne.s32 s24, s8;
	[sflag:s21] =	ssyncadd.s32 $0xFFFFE000  }
.Ltmp1:
0x51: {  	[bflag:$0x0] =	sbarrier.arrive $0xFFFF;
	(pc) =	sbr.rel @p0 .LBB2_1-.Ltmp1, $4  }
0x52: {  	[hbm:s23], [sflag:s12] =	dma.local [spmem:s13], $0x2780  }
0x53: {  	_ =	swait.ge [sflag:s10], $0x2780  }
0x54: {  	[sflag:s10] =	ssyncset.done $0x0  }
0x55: {  	[sflag:s10] =	ssyncadd.s32 $0xFFFFD880  }
0x56: {  	_ =	sfence.sel $0x180000  }
0x57: {  	[bflag:$0x0] =	sbarrier.arrive $0xFFFF  }
0x58: {  	p0 =	sne.s32 s1, $0x0;
	_ =	strace $0x9000004A  }
0x59: {  	s0 =	sadd.s32 @!p0 $0x100000, s0;
	[bflag:$0x2] =	sbarrier.arrive $0xFFFF  }
0x5a: {  	[sflag:s0] =	ssyncadd.tile.s32 @!p0 $0x1;
	_ =	shalt  }
.Lfunc_end2:
_tile_overlayer_lowered:
.L_overlay_start_2:
0x5b: {  	(tag) =	ssettag $0x2  }
0x5c: {  	s0 =	rddreg [dreg:$0x0];
	s2 =	stileid.u32  }
0x5d: {  	s1 =	rddreg [dreg:$0x1];
	p0 =	sne.s32 s2, $0x0  }
0x5e: {  	s3 =	rddreg [dreg:$0x2];
	[bflag:$0x3] =	sbarrier.arrive $0xFFFF;
	s2 =	simm.s32 @!p0 $0x1C05  }
0x5f: {  	[timem:s3], [sflag:s2] =	dma.local @!p0 [hbm:s0], s1  }
0x60: {  	s0 =	simm.s32 @!p0 $0x5  }
0x61: {  	_ =	swait.ge @!p0 [sflag:s0], s1  }
0x62: {  	s1 =	ssub.s32 @!p0 $0x0, s1;
	[sflag:s0] =	ssyncset.done @!p0 $0x0  }
0x63: {  	[sflag:s0] =	ssyncadd.s32 @!p0 s1  }
0x64: {  	[bflag:$0x3] =	sbarrier.arrive $0xFFFF  }
0x65: {  	_ =	shalt  }

// kernel: kernel.8.cloned.1.call-start
scs
__scs_entry_jumppad:
0x0: {  	(pc) =	sbr.rel $0x88, $3  }
0x1: {  	(tag) =	ssettag $0x0;
	lr =	simm.s32 $0x1  }
0x2: {  	[smem:$0x3F99] =	sst lr;
	_ =	strace $0xD0000000  }
0x3: {  	_ = 	snop  }
0x4: {  	_ = 	snop  }
0x5: {  	_ = 	snop  }
0x6: {  	_ = 	snop  }
0x7: {  	_ = 	snop  }
__scs_overlays_trampoline_lowered:
0x8: {  	[smem:$0x3FA8] =	sst s0  }
0x9: {  	[smem:$0x3FA9] =	sst s1  }
0xa: {  	[smem:$0x3FAA] =	sst s2  }
0xb: {  	[smem:$0x3FAB] =	sst s3  }
0xc: {  	[smem:$0x3FAC] =	sst s4  }
0xd: {  	[smem:$0x3FAD] =	sst s5  }
0xe: {  	[smem:$0x3FAE] =	sst s6  }
0xf: {  	[smem:$0x3FAF] =	sst s7  }
0x10: {  	[smem:$0x3FB0] =	sst s8  }
0x11: {  	[smem:$0x3FB1] =	sst s9;
	s0 =	simm.s32 @!p0 $0x0  }
0x12: {  	s1 =	sld [smem:$0x3F97];
	s0 =	simm.s32 @p0 $0x1  }
0x13: {  	[smem:$0x3FB2] =	sst s0;
	s0 =	simm.s32 @!p1 $0x0  }
0x14: {  	s2 =	sld [smem:$0x3F96];
	s0 =	simm.s32 @p1 $0x1  }
0x15: {  	[smem:$0x3FB3] =	sst s0;
	s0 =	simm.s32 @!p2 $0x0  }
0x16: {  	s3 =	sld [smem:$0x3FDB];
	s0 =	simm.s32 @p2 $0x1  }
0x17: {  	s4 =	simm.s32 $0x1BF5;
	[smem:$0x3FB5] =	sst s0  }
0x18: {  	s0 =	sld [smem:$0x3F98];
	_ =	swait.ge [sflag:s4], $0x0  }
0x19: {  	s7 =	sld [smem:$0x3F99]  }
0x1a: {  	s8 =	sadd.s32 $0xFFFFE003, lr  }
0x1b: {  	s9 =	sadd.s32 $0xFFFFFEF7, lr;
	s5 =	simm.s32 $0xFFFFFFFF;
	p2 =	slt.u32 s8, $0xFFFFF086  }
0x1c: {  	p1 =	slt.u32 s9, $0xF7A;
	s5 =	simm.s32 @!p2 $0x0  }
0x1d: {  	s5 =	simm.s32 @p1 $0x1;
	p0 =	seq.s32 s7, s2  }
0x1e: {  	s7 =	smul.u32 @!p0 $0xF7A, s2;
	p2 =	seq.s32 @!p0 s5, $0x0  }
0x1f: {  	s9 =	smul.u32 $0xF7A, s1;
	s8 =	simm.s32 @!p0 $0x1BF5;
	p2 =	por !p2, p0  }
0x20: {  	[sflag:s8] =	ssyncset.s32 @!p0 $0xFFFFF086;
	s6 =	sadd.s32 @!p0 s3, s7;
	s7 =	simm.s32 @!p0 $0x108  }
0x21: {  	s3 =	sadd.s32 s3, s9;
	s6 =	sadd.s32 @!p0 $0x88, s6;
	s7 =	simm.s32 @p2 $0x1082  }
0x22: {  	[simem:s7], [sflag:s8] =	dma.local @!p0 [hbm:s6], $0xF7A  }
0x23: {  	s9 =	sor.u32 $0xD0000000, s2;
	s6 =	simm.s32 $0x108;
	_ =	swait.ge @!p0 [sflag:s8], $0x0  }
0x24: {  	s3 =	sadd.s32 $0x88, s3;
	s6 =	simm.s32 @!p1 $0x1082;
	[sflag:s4] =	ssyncset.s32 $0xFFFFF086  }
0x25: {  	[simem:s6], [sflag:s4] =	dma.local [hbm:s3], $0xF7A  }
0x26: {  	[smem:$0x3F99] =	sst s1;
	(tag) =	ssettag s2;
	_ =	strace s9  }
0x27: {  	s1 =	sld [smem:$0x3FA9]  }
0x28: {  	s2 =	sld [smem:$0x3FAA]  }
0x29: {  	s4 =	sld [smem:$0x3FAC]  }
0x2a: {  	p0 =	seq.s32 s5, $0x0;
	s5 =	sld [smem:$0x3FAD]  }
0x2b: {  	s6 =	sld [smem:$0x3FAE]  }
0x2c: {  	s7 =	sld [smem:$0x3FAF]  }
0x2d: {  	s3 =	simm.s32 $0x108;
	s8 =	sld [smem:$0x3FB0]  }
0x2e: {  	s3 =	simm.s32 @!p0 $0x1082;
	s9 =	sld [smem:$0x3FB1]  }
0x2f: {  	lr =	sadd.s32 s0, s3;
	s0 =	sld [smem:$0x3FA8]  }
0x30: {  	s3 =	sld [smem:$0x3FAB]  }
0x31: {  	[smem:$0x3FB4] =	sst s10  }
0x32: {  	s10 =	sld [smem:$0x3FB2];
	_ =	sdelay $0x3  }
0x33: {  	p0 =	seq.s32 s10, $0x1;
	s10 =	sld [smem:$0x3FB4];
	_ =	sdelay $0x3  }
0x34: {  	[smem:$0x3FB4] =	sst s10  }
0x35: {  	s10 =	sld [smem:$0x3FB3];
	_ =	sdelay $0x3  }
0x36: {  	p1 =	seq.s32 s10, $0x1;
	s10 =	sld [smem:$0x3FB4];
	_ =	sdelay $0x3  }
0x37: {  	[smem:$0x3FB4] =	sst s10  }
0x38: {  	s10 =	sld [smem:$0x3FB5]  }
0x39: {  	_ = 	snop;
	(pc) =	sbr.ind lr, $3  }
0x3a: {  	_ = 	snop  }
0x3b: {  	_ = 	snop  }
0x3c: {  	p2 =	seq.s32 s10, $0x1;
	s10 =	sld [smem:$0x3FB4]  }
0x3d: {  	_ =	shalt  }
0x3e: {  	_ =	shalt  }
0x3f: {  	_ =	shalt  }
0x40: {  	_ =	shalt  }
0x41: {  	_ =	shalt  }
0x42: {  	_ =	shalt  }
0x43: {  	_ =	shalt  }
0x44: {  	_ =	shalt  }
0x45: {  	_ =	shalt  }
0x46: {  	_ =	shalt  }
0x47: {  	_ =	shalt  }
0x48: {  	_ =	shalt  }
0x49: {  	_ =	shalt  }
0x4a: {  	_ =	shalt  }
0x4b: {  	_ =	shalt  }
0x4c: {  	_ =	shalt  }
0x4d: {  	_ =	shalt  }
0x4e: {  	_ =	shalt  }
0x4f: {  	_ =	shalt  }
0x50: {  	_ =	shalt  }
0x51: {  	_ =	shalt  }
0x52: {  	_ =	shalt  }
0x53: {  	_ =	shalt  }
0x54: {  	_ =	shalt  }
0x55: {  	_ =	shalt  }
0x56: {  	_ =	shalt  }
0x57: {  	_ =	shalt  }
0x58: {  	_ =	shalt  }
0x59: {  	_ =	shalt  }
0x5a: {  	_ =	shalt  }
0x5b: {  	_ =	shalt  }
0x5c: {  	_ =	shalt  }
0x5d: {  	_ =	shalt  }
0x5e: {  	_ =	shalt  }
0x5f: {  	_ =	shalt  }
0x60: {  	_ =	shalt  }
0x61: {  	_ =	shalt  }
0x62: {  	_ =	shalt  }
0x63: {  	_ =	shalt  }
0x64: {  	_ =	shalt  }
0x65: {  	_ =	shalt  }
0x66: {  	_ =	shalt  }
0x67: {  	_ =	shalt  }
0x68: {  	_ =	shalt  }
0x69: {  	_ =	shalt  }
0x6a: {  	_ =	shalt  }
0x6b: {  	_ =	shalt  }
0x6c: {  	_ =	shalt  }
0x6d: {  	_ =	shalt  }
0x6e: {  	_ =	shalt  }
0x6f: {  	_ =	shalt  }
0x70: {  	_ =	shalt  }
0x71: {  	_ =	shalt  }
0x72: {  	_ =	shalt  }
0x73: {  	_ =	shalt  }
0x74: {  	_ =	shalt  }
0x75: {  	_ =	shalt  }
0x76: {  	_ =	shalt  }
0x77: {  	_ =	shalt  }
0x78: {  	_ =	shalt  }
0x79: {  	_ =	shalt  }
0x7a: {  	_ =	shalt  }
0x7b: {  	_ =	shalt  }
0x7c: {  	_ =	shalt  }
0x7d: {  	_ =	shalt  }
0x7e: {  	_ =	shalt  }
0x7f: {  	_ =	shalt  }
0x80: {  	_ =	shalt  }
0x81: {  	_ =	shalt  }
0x82: {  	_ =	shalt  }
0x83: {  	_ =	shalt  }
0x84: {  	_ =	shalt  }
0x85: {  	_ =	shalt  }
0x86: {  	_ =	shalt  }
0x87: {  	_ =	shalt  }
.Lfunc_end0:
.L_simem_size_0:
called_computation_lowered:
.L_overlay_start_0:
0x88: {  	s2 =	sld [smem:$0x3FD9]  }
0x89: {  	s3 =	sld [smem:$0x3FFE];
	_ =	sdelay $0x1  }
0x8a: {  	s1 =	srdreg.scid  }
0x8b: {  	s0 =	sand.u32 $0x1, s1  }
0x8c: {  	s16 =	sshll.u32 s0, $0xA;
	s2 =	sadd.s32 s3, s2  }
0x8d: {  	s2 =	sadd.s32 s2, s16  }
0x8e: {  	[smem:$0x3FC0] =	sst s2  }
0x8f: {  	_ = 	snop  }
0x90: {  	(tm) =	ssettm $0x1  }
0x91: {  	s17 =	sld [smem:$0x3FFB];
	_ =	sdelay $0x3  }
0x92: {  	_ =	strace s17  }
0x93: {  	s2 =	sld [smem:$0x3FFC];
	_ =	sdelay $0x3  }
0x94: {  	_ =	strace s2  }
0x95: {  	s2 =	sld [smem:$0x3FFD];
	_ =	sdelay $0x3  }
0x96: {  	_ =	strace s2  }
0x97: {  	_ =	strace $0x8FFFFFFF  }
0x98: {  	s18 =	sld [smem:$0x3FDB];
	_ =	sdelay $0x1  }
0x99: {  	s19 =	simm.s32 $_scs_section_size  }
0x9a: {  	s4 =	simm.s32 $_size__tile_overlayer_lowered;
	s5 =	simm.s32 $_tile_overlayer_lowered  }
0x9b: {  	s22 =	simm.s32 $0x1BFF;
	s21 =	sshll.u32 s5, $0x1;
	s2 =	sadd.s32 s19, s18  }
0x9c: {  	s6 =	simm.s32 $0x0;
	s20 =	sshll.u32 s4, $0x1;
	s4 =	sadd.s32 s21, s2  }
0x9d: {  	[timem:s6], [sflag:s22] =	dma.local [hbm:s4], s20  }
0x9e: {  	_ =	swait.ge [sflag:s22], s20  }
0x9f: {  	s3 =	ssub.s32 $0x0, s20;
	[sflag:s22] =	ssyncset.done $0x0  }
0xa0: {  	[sflag:s22] =	ssyncadd.s32 s3;
	_ =	sdelay $0x1  }
0xa1: {  	s23 =	simm.s32 $0x1B8B  }
0xa2: {  	_ =	swait.ge [sflag:s23], $0x1  }
0xa3: {  	[sflag:s23] =	ssyncset.done $0x0  }
0xa4: {  	s25 =	simm.s32 $0x1B8E;
	s24 =	sld [smem:$0x3FFE];
	[sflag:s23] =	ssyncadd.s32 $0xFFFFFFFF  }
0xa5: {  	s26 =	simm.s32 $execute0_lowered;
	[smem:$0x3FD2] =	sst s25  }
0xa6: {  	s4 =	sshll.u32 s26, $0x1;
	_ =	strace $0x80000046;
	[dreg:$0x1] =	wrdreg $0xFFFFFFFF  }
0xa7: {  	s28 =	simm.s32 $_size_execute0_lowered;
	s2 =	sadd.s32 s2, s4;
	[dreg:$0x0] =	wrdreg $0x0  }
0xa8: {  	s4 =	sshll.u32 s28, $0x1;
	[dreg:$0x2] =	wrdreg s2  }
0xa9: {  	[dreg:$0x3] =	wrdreg s4  }
0xaa: {  	[dreg:$0x4] =	wrdreg $0xC0  }
0xab: {  	_ =	task [dreg:s6], $0x5FFFF  }
0xac: {  	[dreg:$0x1] =	wrdreg $0xFFFFFFFF  }
0xad: {  	[dreg:$0x0] =	wrdreg $0x60  }
0xae: {  	[dreg:$0x2] =	wrdreg s24  }
0xaf: {  	[dreg:$0x3] =	wrdreg $0x0  }
0xb0: {  	[dreg:$0x4] =	wrdreg $0x9  }
0xb1: {  	_ =	task.clear_ibuf [dreg:s6], $0x5FFFF;
	_ =	strace $0x90000046  }
0xb2: {  	s29 =	simm.s32 $0x9;
	_ =	strace $0x80000048  }
0xb3: {  	_ =	swait.ge [sflag:s29], $0x1  }
0xb4: {  	[sflag:s29] =	ssyncadd.s32 $0xFFFFFFFF  }
0xb5: {  	_ =	strace $0x90000048  }
0xb6: {  	_ =	sfence  }
0xb7: {  	s30 =	sld [smem:$0x0];
	_ =	sdelay $0x2  }
0xb8: {  	s31 =	sshll.u32 s1, $0xD;
	s1 =	sshrl.u32 s1, $0x2  }
0xb9: {  	s3 =	sand.u32 $0x4000, s31;
	s1 =	sadd.s32 s1, s30  }
0xba: {  	s0 =	sor.u32 s3, s0;
	s1 =	sshll.u32 s1, $0x11  }
0xbb: {  	s0 =	sor.u32 s1, s0  }
0xbc: {  	s0 =	sadd.s32 $0x8F2B, s0  }
0xbd: {  	[sflag:s0] =	ssyncadd.remote.s32 $0x1  }
0xbe: {  	_ =	sfence.sel $0xFFFF  }
0xbf: {  	[dreg:$0x0] =	wrdreg $0xFFFFFFFF;
	(pc) =	sbr.abs _section_cstart, $3  }
0xc0: {  	[dreg:$0x1] =	wrdreg $0xFFFFFFFF  }
0xc1: {  	_ =	task.clear_ibuf [dreg:s6], $0x2FFFF;
	_ =	strace $0x9FFFFFFF  }
0xc2: {  	(tm) =	ssettm $0x7FFFFFFF  }
0xc3: {  	_ =	shalt  }
tec
execute0_lowered:
.L_overlay_start_1:
0x0: {  	(tag) =	ssettag $0x1  }
0x1: {  	s7 =	rddreg [dreg:$0x0]  }
0x2: {  	s1 =	rddreg [dreg:$0x1]  }
0x3: {  	s3 =	srdreg.scid;
	s0 =	rddreg [dreg:$0x2];
	s2 =	simm.s32 $0x0  }
0x4: {  	s17 =	simm.s32 $0x16400;
	s18 =	simm.s32 $0x1;
	s19 =	simm.s32 $0x13C40  }
0x5: {  	s20 =	simm.s32 $0x18400;
	s21 =	simm.s32 $0x2;
	s8 =	sand.u32 $0x1, s3  }
0x6: {  	s26 =	simm.s32 $0x163C0;
	s28 =	simm.s32 $0x0;
	s3 =	smul.u32 $0x2800, s8  }
0x7: {  	[smem:$0x7FF] =	sst s2;
	s4 =	sadd.s32 $0xE800, s7;
	s9 =	smul.u32 $0x27800, s8  }
0x8: {  	s5 =	sadd.s32 $0x2000, s7;
	s11 =	smul.u32 $0x4F00, s8;
	s8 =	ssub.s32 $0x2, s8  }
0x9: {  	s6 =	sadd.s32 $0x36800, s7;
	_ =	strace $0x80000047;
	s29 =	sshrl.u32 s8, $0x1  }
0xa: {  	s10 =	sadd.s32 s3, s7;
	s3 =	stileid.u32;
	s9 =	sadd.s32 s9, s7  }
0xb: {  	s11 =	sadd.s32 s11, s7;
	s8 =	ssub.s32 s8, s29;
	s12 =	smul.u32 $0x280, s3  }
0xc: {  	s13 =	smul.u32 $0x27800, s3;
	s15 =	sadd.s32 $0x4800, s10;
	s22 =	sadd.s32 $0x36E00, s9  }
0xd: {  	s24 =	sadd.s32 $0x85E00, s11;
	s25 =	smul.u32 $0x4F0, s3;
	s8 =	smax.u32 s8, $0x1  }
0xe: {  	s9 =	simm.s32 $0x13C00;
	s31 =	sshll.u32 s3, $0x6;
	s14 =	sadd.s32 s12, s10  }
0xf: {  	s30 =	sshrl.u32 s13, $0x1;
	s23 =	sshrl.u32 s13, $0x4;
	s10 =	simm.s32 $0x5  }
0x10: {  	s11 =	sadd.s32 s12, s15;
	s12 =	simm.s32 $0x15000;
	s13 =	simm.s32 $0x1A400  }
0x11: {  	s24 =	sadd.s32 s25, s24;
	s25 =	simm.s32 $0x4;
	s7 =	sadd.s32 $0x9800, s14  }
0x12: {  	s16 =	sadd.s32 s30, s1;
	s14 =	sor.u32 $0x1C05, s31;
	s22 =	sadd.s32 s23, s22  }
0x13: {  	v0 =	vimm.f32 $1.000000000e+00;
	s23 =	simm.s32 $0x3;
	s15 =	sshrl.u32 s16, $0x3;
	s16 =	simm.s32 $0x40  }
.LBB2_1:
0x14: {  	[tilespmem:s9], [sflag:$0x5] =	stream.linear.gather [hbm4b:s7+s2], $0x1400, $0x38;
	[tilespmem:$0x1CB80] =	vst v63  }
0x15: {  	_ =	swait.ge [sflag:s10], $0x1400  }
0x16: {  	[sflag:s10] =	ssyncset.done $0x0  }
0x17: {  	[sflag:s10] =	ssyncadd.s32 $0xFFFFEC00  }
0x18: {  	[tilespmem:s12], [sflag:$0x5] =	stream.linear.gather [hbm4b:s11+s2], $0x1400, $0x38;
	[tilespmem:$0x1CB80] =	vst v63  }
0x19: {  	_ =	swait.ge [sflag:s10], $0x1400  }
0x1a: {  	[sflag:s10] =	ssyncset.done $0x0  }
0x1b: {  	[sflag:s10] =	ssyncadd.s32 $0xFFFFEC00  }
0x1c: {  	[tilespmem:s13], [sflag:$0x5] =	stream.linear.gather [hbm4b:s6+s2], $0x2780, $0x38;
	[tilespmem:$0x1CB80] =	vst v63  }
0x1d: {  	_ =	swait.ge [sflag:s10], $0x2780  }
0x1e: {  	[sflag:s10] =	ssyncset.done $0x0  }
0x1f: {  	[sflag:s10] =	ssyncadd.s32 $0xFFFFD880  }
0x20: {  	[spmem:s15], [sflag:s14] =	dma.local [hbm:s5], $0x2780  }
0x21: {  	_ =	swait.ge [sflag:s10], $0x2780  }
0x22: {  	[sflag:s10] =	ssyncset.done $0x0  }
0x23: {  	[sflag:s10] =	ssyncadd.s32 $0xFFFFD880  }
0x24: {  	[bflag:$0x0] =	sbarrier.arrive $0xFFFF  }
0x25: {  	[tilespmem:s17], [sflag:$0x1] =	stream.indirect.gather [hbm4b:s4+s16], $0x80, s9, s16, $0xb8;
	[tilespmem:$0x1CB80] =	vst v63  }
0x26: {  	_ =	swait.ge [sflag:s18], $0x2000  }
0x27: {  	[sflag:s18] =	ssyncset.done $0x0  }
0x28: {  	[sflag:s18] =	ssyncadd.s32 $0xFFFFE000  }
0x29: {  	[spmem:s1] =	stream.indirect.scatter.add.bf16 [tilespmem:s17], [sflag:$0x3], $0x80, s12, s16, $0xb8;
	[tilespmem:$0x1CB80] =	vst v63  }
0x2a: {  	v1 =	vld [tilespmem:$0x15000];
	_ =	sdelay $0x7  }
0x2b: {  	[tilespmem:v1+s13+$0x0] =	vst.idx.add.f32.msk $0xffff, v0  }
0x2c: {  	v1 =	vld [tilespmem:$0x15010];
	_ =	sdelay $0x7  }
0x2d: {  	[tilespmem:v1+s13+$0x0] =	vst.idx.add.f32.msk $0xffff, v0  }
0x2e: {  	v1 =	vld [tilespmem:$0x15020];
	_ =	sdelay $0x7  }
0x2f: {  	[tilespmem:v1+s13+$0x0] =	vst.idx.add.f32.msk $0xffff, v0  }
0x30: {  	v1 =	vld [tilespmem:$0x15030];
	_ =	sdelay $0x7  }
0x31: {  	s29 =	simm.s32 $0x0;
	[tilespmem:v1+s13+$0x0] =	vst.idx.add.f32.msk $0xffff, v0  }
0x32: {  	[tilespmem:s20], [sflag:$0x2] =	stream.indirect.gather [hbm4b:s4+s16], $0x80, s19, s16, $0xb8;
	[tilespmem:$0x1CB80] =	vst v63  }
.LBB2_2:
0x33: {  	_ =	swait.ge [sflag:s21], $0x2000  }
0x34: {  	s30 =	sshra.s32 s29, $0x2;
	[sflag:s21] =	ssyncset.done $0x0  }
0x35: {  	s31 =	sadd.s32 $0x15040, s30;
	[sflag:s21] =	ssyncadd.s32 $0xFFFFE000  }
0x36: {  	[spmem:s1] =	stream.indirect.scatter.add.bf16 [tilespmem:s20], [sflag:$0x4], $0x80, s31, s16, $0xb8;
	[tilespmem:$0x1CB80] =	vst v63  }
0x37: {  	v1 =	vld [tilespmem:s30+$0x15040];
	_ =	sdelay $0x7  }
0x38: {  	[tilespmem:v1+s13+$0x0] =	vst.idx.add.f32.msk $0xffff, v0  }
0x39: {  	v1 =	vld [tilespmem:s30+$0x15050];
	_ =	sdelay $0x7  }
0x3a: {  	[tilespmem:v1+s13+$0x0] =	vst.idx.add.f32.msk $0xffff, v0  }
0x3b: {  	v1 =	vld [tilespmem:s30+$0x15060];
	_ =	sdelay $0x7  }
0x3c: {  	[tilespmem:v1+s13+$0x0] =	vst.idx.add.f32.msk $0xffff, v0  }
0x3d: {  	v1 =	vld [tilespmem:s30+$0x15070];
	_ =	sdelay $0x7  }
0x3e: {  	[tilespmem:v1+s13+$0x0] =	vst.idx.add.f32.msk $0xffff, v0  }
0x3f: {  	_ =	swait.ge [sflag:s23], $0x2000  }
0x40: {  	[sflag:s23] =	ssyncset.done $0x0  }
0x41: {  	s31 =	sadd.s32 $0x13C80, s30;
	[sflag:s23] =	ssyncadd.s32 $0xFFFFE000  }
0x42: {  	[tilespmem:s17], [sflag:$0x1] =	stream.indirect.gather [hbm4b:s4+s16], $0x80, s31, s16, $0xb8;
	[tilespmem:$0x1CB80] =	vst v63  }
0x43: {  	_ =	swait.ge [sflag:s18], $0x2000  }
0x44: {  	[sflag:s18] =	ssyncset.done $0x0  }
0x45: {  	s31 =	sadd.s32 $0x15080, s30;
	[sflag:s18] =	ssyncadd.s32 $0xFFFFE000  }
0x46: {  	[spmem:s1] =	stream.indirect.scatter.add.bf16 [tilespmem:s17], [sflag:$0x3], $0x80, s31, s16, $0xb8;
	[tilespmem:$0x1CB80] =	vst v63  }
0x47: {  	v1 =	vld [tilespmem:s30+$0x15080];
	_ =	sdelay $0x7  }
0x48: {  	[tilespmem:v1+s13+$0x0] =	vst.idx.add.f32.msk $0xffff, v0  }
0x49: {  	v1 =	vld [tilespmem:s30+$0x15090];
	_ =	sdelay $0x7  }
0x4a: {  	[tilespmem:v1+s13+$0x0] =	vst.idx.add.f32.msk $0xffff, v0  }
0x4b: {  	v1 =	vld [tilespmem:s30+$0x150A0];
	_ =	sdelay $0x7  }
0x4c: {  	[tilespmem:v1+s13+$0x0] =	vst.idx.add.f32.msk $0xffff, v0  }
0x4d: {  	v1 =	vld [tilespmem:s30+$0x150B0];
	_ =	sdelay $0x6  }
0x4e: {  	p0 =	sne.s32 s29, $0x4C00  }
.Ltmp0:
0x4f: {  	[tilespmem:v1+s13+$0x0] =	vst.idx.add.f32.msk $0xffff, v0;
	(pc) =	sbr.rel @p0 .LBB2_2-.Ltmp0, $4  }
0x50: {  	_ =	swait.ge [sflag:s25], $0x2000  }
0x51: {  	[sflag:s25] =	ssyncset.done $0x0  }
0x52: {  	s29 =	sadd.s32 $0x200, s29;
	s30 =	sadd.s32 $0x13CC0, s30;
	[sflag:s25] =	ssyncadd.s32 $0xFFFFE000  }
0x53: {  	[tilespmem:s20], [sflag:$0x2] =	stream.indirect.gather [hbm4b:s4+s16], $0x80, s30, s16, $0xb8;
	[tilespmem:$0x1CB80] =	vst v63  }
0x54: {  	_ =	swait.ge [sflag:s21], $0x2000  }
0x55: {  	[sflag:s21] =	ssyncset.done $0x0  }
0x56: {  	[sflag:s21] =	ssyncadd.s32 $0xFFFFE000  }
0x57: {  	[spmem:s1] =	stream.indirect.scatter.add.bf16 [tilespmem:s20], [sflag:$0x4], $0x80, s26, s16, $0xb8;
	[tilespmem:$0x1CB80] =	vst v63  }
0x58: {  	v1 =	vld [tilespmem:$0x163C0];
	_ =	sdelay $0x7  }
0x59: {  	[tilespmem:v1+s13+$0x0] =	vst.idx.add.f32.msk $0xffff, v0  }
0x5a: {  	v1 =	vld [tilespmem:$0x163D0];
	_ =	sdelay $0x7  }
0x5b: {  	[tilespmem:v1+s13+$0x0] =	vst.idx.add.f32.msk $0xffff, v0  }
0x5c: {  	v1 =	vld [tilespmem:$0x163E0];
	_ =	sdelay $0x7  }
0x5d: {  	[tilespmem:v1+s13+$0x0] =	vst.idx.add.f32.msk $0xffff, v0  }
0x5e: {  	v1 =	vld [tilespmem:$0x163F0];
	_ =	sdelay $0x7  }
0x5f: {  	[tilespmem:v1+s13+$0x0] =	vst.idx.add.f32.msk $0xffff, v0  }
0x60: {  	_ =	swait.ge [sflag:s23], $0x2000  }
0x61: {  	[sflag:s23] =	ssyncset.done $0x0  }
0x62: {  	[sflag:s23] =	ssyncadd.s32 $0xFFFFE000  }
0x63: {  	_ =	swait.ge [sflag:s25], $0x2000  }
0x64: {  	[sflag:s25] =	ssyncset.done $0x0  }
0x65: {  	[sflag:s25] =	ssyncadd.s32 $0xFFFFE000  }
0x66: {  	[bflag:$0x0] =	sbarrier.arrive $0xFFFF  }
0x67: {  	[hbm:s22], [sflag:s14] =	dma.local [spmem:s15], $0x2780  }
0x68: {  	s28 =	sadd.s32 $0x1, s28;
	_ =	swait.ge [sflag:s10], $0x2780  }
0x69: {  	p0 =	sne.s32 s28, s8;
	[sflag:s10] =	ssyncset.done $0x0  }
.Ltmp1:
0x6a: {  	[sflag:s10] =	ssyncadd.s32 $0xFFFFD880;
	(pc) =	sbr.rel @p0 .LBB2_1-.Ltmp1, $4  }
0x6b: {  	[hbm4b:s24+s2] =	stream.linear.scatter [tilespmem:s13], [sflag:$0x5], $0x2780, $0x38;
	[tilespmem:$0x1CB80] =	vst v63  }
0x6c: {  	_ =	swait.ge [sflag:s10], $0x2780  }
0x6d: {  	[sflag:s10] =	ssyncset.done $0x0  }
0x6e: {  	[sflag:s10] =	ssyncadd.s32 $0xFFFFD880  }
0x6f: {  	_ =	sfence.sel $0x180000  }
0x70: {  	[bflag:$0x0] =	sbarrier.arrive $0xFFFF  }
0x71: {  	p0 =	sne.s32 s3, $0x0;
	_ =	strace $0x90000047  }
0x72: {  	s0 =	sadd.s32 @!p0 $0x100000, s0;
	[bflag:$0x2] =	sbarrier.arrive $0xFFFF  }
0x73: {  	[sflag:s0] =	ssyncadd.tile.s32 @!p0 $0x1;
	_ =	shalt  }
.Lfunc_end2:
_tile_overlayer_lowered:
.L_overlay_start_2:
0x74: {  	(tag) =	ssettag $0x2  }
0x75: {  	s0 =	rddreg [dreg:$0x0];
	s2 =	stileid.u32  }
0x76: {  	s1 =	rddreg [dreg:$0x1];
	p0 =	sne.s32 s2, $0x0  }
0x77: {  	s3 =	rddreg [dreg:$0x2];
	[bflag:$0x3] =	sbarrier.arrive $0xFFFF;
	s2 =	simm.s32 @!p0 $0x1C05  }
0x78: {  	[timem:s3], [sflag:s2] =	dma.local @!p0 [hbm:s0], s1  }
0x79: {  	s0 =	simm.s32 @!p0 $0x5  }
0x7a: {  	_ =	swait.ge @!p0 [sflag:s0], s1  }
0x7b: {  	s1 =	ssub.s32 @!p0 $0x0, s1;
	[sflag:s0] =	ssyncset.done @!p0 $0x0  }
0x7c: {  	[sflag:s0] =	ssyncadd.s32 @!p0 s1  }
0x7d: {  	[bflag:$0x3] =	sbarrier.arrive $0xFFFF  }
0x7e: {  	_ =	shalt  }

</sc_bundles>
